<compile_context>
chip_gen: v7x
topology: tpu7x:2x2x1
jax: 0.10.2.dev20260603
libtpu: 0.0.44.dev20260713+nightly
codegen_flags: <defaults>
</compile_context>

<pallas_src>
import functools

import jax
import jax.numpy as jnp
from jax import lax
from jax.experimental import pallas as pl
from jax.experimental.pallas import tpu as pltpu
from jax.experimental.pallas import tpu_sc as plsc

B, D, E, H, O, K = 2048, 768, 64, 64, 64, 2
N = B * K
BLK = 256
RB = 128
NRB = N // RB
OP = 128
SRB = 512
NSRB = N // SRB
MRB = 256
NMRB = N // MRB
TPW = B // 32


def _gate_kernel(x_ref, wg_ref, bg_ref, scores_ref, idx_ref, nw_ref, ent_ref):
    blk = pl.program_id(0)
    xb = x_ref[...]

    scores = lax.dot_general(xb, wg_ref[...],
                             (((1,), (1,)), ((), ())))
    scores = scores + bg_ref[...][None, :]
    scores_ref[...] = scores

    m = jnp.max(scores, axis=1, keepdims=True)
    ex = jnp.exp(scores - m)
    z = jnp.sum(ex, axis=1, keepdims=True)
    probs = ex / z

    ent_rows = jnp.sum(-probs * jnp.log(probs + 1e-9), axis=1, keepdims=True)
    ent_blk = jnp.sum(ent_rows, axis=0, keepdims=True) / B

    @pl.when(blk == 0)
    def _():
        ent_ref[...] = ent_blk

    @pl.when(blk > 0)
    def _():
        ent_ref[...] += ent_blk

    iota = lax.broadcasted_iota(jnp.int32, (BLK, E), 1)
    p0 = jnp.max(probs, axis=1, keepdims=True)
    i0 = jnp.min(jnp.where(probs == p0, iota, E), axis=1, keepdims=True)
    pm = jnp.where(iota == i0, -jnp.inf, probs)
    p1 = jnp.max(pm, axis=1, keepdims=True)
    i1 = jnp.min(jnp.where(pm == p1, iota, E), axis=1, keepdims=True)
    idx_ref[...] = jnp.concatenate([i0, i1], axis=1)

    eab = jnp.exp(p1 - p0)
    nw0 = 1.0 / (1.0 + eab)
    nw1 = eab / (1.0 + eab)
    nw_ref[...] = jnp.concatenate([nw0, nw1], axis=1)


def _gate(x, Wg, bg):
    return pl.pallas_call(
        _gate_kernel,
        grid=(B // BLK,),
        in_specs=[
            pl.BlockSpec((BLK, D), lambda i: (i, 0)),
            pl.BlockSpec((E, D), lambda i: (0, 0)),
            pl.BlockSpec((E,), lambda i: (0,)),
        ],
        out_specs=[
            pl.BlockSpec((BLK, E), lambda i: (i, 0)),
            pl.BlockSpec((BLK, K), lambda i: (i, 0)),
            pl.BlockSpec((BLK, K), lambda i: (i, 0)),
            pl.BlockSpec((1, 1), lambda i: (0, 0)),
        ],
        out_shape=[
            jax.ShapeDtypeStruct((B, E), jnp.float32),
            jax.ShapeDtypeStruct((B, K), jnp.int32),
            jax.ShapeDtypeStruct((B, K), jnp.float32),
            jax.ShapeDtypeStruct((1, 1), jnp.float32),
        ],
    )(x, Wg, bg)


def _pos_kernel(eids_ref, nw_ref, pos_ref, einv_ref, pe_ref, po_ref, wb_ref,
                hists):
    iota_e = lax.broadcasted_iota(jnp.int32, (SRB, E), 1)
    hp = lax.Precision.HIGHEST
    dn = (((1,), (0,)), ((), ()))

    def onehot(j):
        ecol = eids_ref[pl.ds(j * SRB, SRB), :]
        return (ecol == iota_e).astype(jnp.float32)

    def hist_body(j, carry):
        hists[pl.ds(j, 1), :] = jnp.sum(onehot(j), axis=0, keepdims=True)
        return carry

    lax.fori_loop(0, NSRB, hist_body, 0)

    total = jnp.sum(hists[...], axis=0, keepdims=True)
    a = lax.broadcasted_iota(jnp.int32, (E, E), 0)
    b = lax.broadcasted_iota(jnp.int32, (E, E), 1)
    lt = (a < b).astype(jnp.float32)
    offs = lax.dot_general(total, lt, (((1,), (0,)), ((), ())),
                           precision=hp)

    r = lax.broadcasted_iota(jnp.int32, (SRB, SRB), 0)
    c = lax.broadcasted_iota(jnp.int32, (SRB, SRB), 1)
    ltri = (c < r).astype(jnp.float32)
    riota = lax.broadcasted_iota(jnp.int32, (SRB, 1), 0)
    sel_r = lax.broadcasted_iota(jnp.int32, (SRB // 2, SRB), 0)
    sel_c = lax.broadcasted_iota(jnp.int32, (SRB // 2, SRB), 1)
    s_even = (sel_c == 2 * sel_r).astype(jnp.float32)
    s_odd = (sel_c == 2 * sel_r + 1).astype(jnp.float32)

    def pos_body(j, carry):
        M = onehot(j)
        rank = jnp.sum(
            lax.dot_general(ltri, M, dn) * M,
            axis=1, keepdims=True)
        base = jnp.sum((offs + carry) * M, axis=1, keepdims=True)
        posj = rank + base
        pos_ref[pl.ds(j * SRB, SRB), :] = posj.astype(jnp.int32)
        pe_ref[pl.ds(j * (SRB // 2), SRB // 2), :] = lax.dot_general(
            s_even, posj, dn, precision=hp).astype(jnp.int32)
        po_ref[pl.ds(j * (SRB // 2), SRB // 2), :] = lax.dot_general(
            s_odd, posj, dn, precision=hp).astype(jnp.int32)
        prow = j * SRB + riota
        einv_ref[pl.ds(j * SRB, SRB), :] = (
            jnp.sum((prow >= offs.astype(jnp.int32)).astype(jnp.int32),
                    axis=1, keepdims=True) - 1)
        wb_ref[pl.ds(j * SRB, SRB), :] = jnp.broadcast_to(
            nw_ref[pl.ds(j * SRB, SRB), :], (SRB, OP))
        return carry + jnp.sum(M, axis=0, keepdims=True)

    lax.fori_loop(0, NSRB, pos_body, jnp.zeros((1, E), jnp.float32))


def _positions(eidsf, nwf):
    return pl.pallas_call(
        _pos_kernel,
        out_shape=[
            jax.ShapeDtypeStruct((N, 1), jnp.int32),
            jax.ShapeDtypeStruct((N, 1), jnp.int32),
            jax.ShapeDtypeStruct((B, 1), jnp.int32),
            jax.ShapeDtypeStruct((B, 1), jnp.int32),
            jax.ShapeDtypeStruct((N, OP), jnp.float32),
        ],
        scratch_shapes=[pltpu.VMEM((NSRB, E), jnp.float32)],
    )(eidsf, nwf)


@functools.cache
def _sc_mesh():
    return plsc.VectorSubcoreMesh(core_axis_name="c", subcore_axis_name="s",
                                  num_cores=2, num_subcores=16)


@functools.cache
def _dispatch():
    return pl.kernel(
        _dispatch_kernel,
        out_type=jax.ShapeDtypeStruct((N, D), jnp.float32),
        mesh=_sc_mesh(),
        scratch_types=[
            pltpu.VMEM((TPW,), jnp.int32),
            pltpu.VMEM((TPW,), jnp.int32),
            pltpu.VMEM((TPW, D), jnp.float32),
            pltpu.SemaphoreType.DMA,
        ],
    )


def _dispatch_kernel(pe_hbm, po_hbm, x_hbm, xs_hbm, v_pe, v_po, rows, sem):
    wid = lax.axis_index("s") * 2 + lax.axis_index("c")
    tbase = wid * TPW
    pltpu.sync_copy(pe_hbm.at[pl.ds(tbase, TPW)], v_pe)
    pltpu.sync_copy(po_hbm.at[pl.ds(tbase, TPW)], v_po)
    pltpu.sync_copy(x_hbm.at[pl.ds(tbase, TPW)], rows)
    pltpu.async_copy(rows, xs_hbm.at[v_pe], sem).wait()
    pltpu.async_copy(rows, xs_hbm.at[v_po], sem).wait()


def _moe_kernel(xs_ref, eid_ref, w1_ref, b1_ref, w2_ref, b2_ref, ys_ref):
    ecol = eid_ref[...]
    e_lo = jnp.min(ecol)
    e_hi = jnp.max(ecol)
    xb = xs_ref[...]

    xbb = xb.astype(jnp.bfloat16)

    def body(e, acc):
        h = jnp.maximum(
            jnp.dot(xbb, w1_ref[e], preferred_element_type=jnp.float32)
            + b1_ref[pl.ds(e, 1), :], 0.0)
        ye = (jnp.dot(h.astype(jnp.bfloat16), w2_ref[e],
                      preferred_element_type=jnp.float32)
              + b2_ref[pl.ds(e, 1), :])
        return jnp.where(ecol == e, ye, acc)

    acc = lax.fori_loop(e_lo, e_hi + 1, body, jnp.zeros((MRB, O), jnp.float32))
    ys_ref[...] = jnp.concatenate(
        [acc, jnp.zeros((MRB, OP - O), jnp.float32)], axis=1)


def _moe(xs, einv, W1, b1, W2, b2):
    return pl.pallas_call(
        _moe_kernel,
        grid=(NMRB,),
        in_specs=[
            pl.BlockSpec((MRB, D), lambda j: (j, 0)),
            pl.BlockSpec((MRB, 1), lambda j: (j, 0)),
            pl.BlockSpec((E, D, H), lambda j: (0, 0, 0)),
            pl.BlockSpec((E, H), lambda j: (0, 0)),
            pl.BlockSpec((E, H, O), lambda j: (0, 0, 0)),
            pl.BlockSpec((E, O), lambda j: (0, 0)),
        ],
        out_specs=pl.BlockSpec((MRB, OP), lambda j: (j, 0)),
        out_shape=jax.ShapeDtypeStruct((N, OP), jnp.float32),
    )(xs, einv, W1.astype(jnp.bfloat16), b1, W2.astype(jnp.bfloat16), b2)


@functools.cache
def _combine():
    return pl.kernel(
        _combine_kernel,
        out_type=jax.ShapeDtypeStruct((B, OP), jnp.float32),
        mesh=_sc_mesh(),
        scratch_types=[
            pltpu.VMEM((2 * TPW,), jnp.int32),
            pltpu.VMEM((2 * TPW, OP), jnp.float32),
            pltpu.VMEM((2 * TPW, OP), jnp.float32),
            pltpu.VMEM((TPW, OP), jnp.float32),
            pltpu.SemaphoreType.DMA,
        ],
    )


def _combine_kernel(pos_hbm, wb_hbm, ys_hbm, out_hbm,
                    v_pos, wrows, yrows, out_v, sem):
    wid = lax.axis_index("s") * 2 + lax.axis_index("c")
    abase = wid * 2 * TPW
    pltpu.sync_copy(pos_hbm.at[pl.ds(abase, 2 * TPW)], v_pos)
    pltpu.sync_copy(wb_hbm.at[pl.ds(abase, 2 * TPW)], wrows)
    pltpu.async_copy(ys_hbm.at[v_pos], yrows, sem).wait()

    def body(i, carry):
        aidx = 2 * i
        for cc in range(OP // 16):
            s = pl.ds(cc * 16, 16)
            out_v[i, s] = (wrows[aidx, s] * yrows[aidx, s]
                           + wrows[aidx + 1, s] * yrows[aidx + 1, s])
        return carry

    lax.fori_loop(0, TPW, body, 0)
    pltpu.sync_copy(out_v, out_hbm.at[pl.ds(wid * TPW, TPW)])


def kernel(x, Wg, bg, W1, b1, W2, b2):
    scores, idx, nw, ent = _gate(x, Wg, bg)
    posf, einv, pe, po, wb = _positions(idx.reshape(N, 1), nw.reshape(N, 1))
    xs = _dispatch()(pe.reshape(B), po.reshape(B), x)
    ys = _moe(xs, einv, W1, b1, W2, b2)
    out = _combine()(posf.reshape(N), wb, ys)
    return out[:, :O], scores, idx, ent[0, 0]

# --- scband reference (transcript-rebuilt; emitter-appended) ---
"""Pipeline reference for scband-modular-routing-network-85572928405667 (READ-ONLY COPY).

The authoritative reference and input builder live on the scoring server;
editing this copy changes nothing except your own understanding.
"""

import jax, jax.numpy as jnp
import numpy as np

B, D, E, H, O, K = 2048, 768, 64, 64, 64, 2

def setup_inputs(seed: int = 0) -> dict:
    key = jax.random.key(seed)
    ks = jax.random.split(key, 4)
    x = jax.random.normal(ks[0], (B, D), dtype=jnp.float32)
    Wg = jax.random.normal(ks[1], (E, D), dtype=jnp.float32) * 0.02
    bg = jnp.zeros((E,), dtype=jnp.float32)
    W1 = jax.random.normal(ks[2], (E, D, H), dtype=jnp.float32) * 0.02
    b1 = jnp.zeros((E, H), dtype=jnp.float32)
    W2 = jax.random.normal(ks[3], (E, H, O), dtype=jnp.float32) * 0.02
    b2 = jnp.zeros((E, O), dtype=jnp.float32)
    return {"x": x, "Wg": Wg, "bg": bg, "W1": W1, "b1": b1, "W2": W2, "b2": b2}

def reference(x, Wg, bg, W1, b1, W2, b2):
    # gate: nn.Linear(input_dim, num_experts)
    raw_gating_scores = x @ Wg.T + bg
    routing_probs = jax.nn.softmax(raw_gating_scores, axis=-1)
    # top-k expert selection on routing probabilities
    _, top_k_indices = jax.lax.top_k(routing_probs, K)  # [B, K]
    # routing_probs[i, expert_idx] gathered per selected expert
    gathered_w = jnp.take_along_axis(routing_probs, top_k_indices, axis=1)  # [B, K]
    # torch applies a second softmax over the K gathered probabilities (dim=0 over the K stack)
    normalized_weights = jax.nn.softmax(gathered_w, axis=1)  # [B, K]
    # expert MLPs: Linear(D->H) -> ReLU -> Linear(H->O). Compute all experts densely,
    # then gather each token's top-k expert outputs (mathematically identical to the
    # per-token loop; unselected expert outputs are discarded by the gather).
    h = jax.nn.relu(jnp.einsum('bd,edh->ebh', x, W1) + b1[:, None, :])  # [E, B, H]
    out_all = jnp.einsum('ebh,eho->ebo', h, W2) + b2[:, None, :]       # [E, B, O]
    out_bt = jnp.transpose(out_all, (1, 0, 2))                          # [B, E, O]
    sel = jnp.take_along_axis(out_bt, top_k_indices[:, :, None], axis=1)  # [B, K, O]
    combined_output = jnp.einsum('bk,bko->bo', normalized_weights, sel)   # [B, O]
    # entropy regularization term
    log_probs = jnp.log(routing_probs + 1e-9)
    entropy = jnp.mean(-jnp.sum(routing_probs * log_probs, axis=-1))
    return combined_output, raw_gating_scores, top_k_indices, entropy

if __name__ == "__main__":
    import jax
    _d = setup_inputs()
    print(jax.jit(kernel)(*tuple(_d.values())))

</pallas_src>

<mosaic_0001>
#map = affine_map<(d0, d1) -> (0)>
#map1 = affine_map<(d0, d1) -> (0, 0)>
module attributes {stable_mosaic.version = 14 : i64} {
  func.func @_combine_kernel(%arg0: i32, %arg1: i32, %arg2: memref<4096xi32, #tpu.memory_space<hbm>>, %arg3: memref<4096x128xf32, #tpu.memory_space<hbm>>, %arg4: memref<4096x128xf32, #tpu.memory_space<hbm>>, %arg5: memref<2048x128xf32, #tpu.memory_space<hbm>>, %arg6: memref<128xi32, #tpu.memory_space<vmem>>, %arg7: memref<128x128xf32, #tpu.memory_space<vmem>>, %arg8: memref<128x128xf32, #tpu.memory_space<vmem>>, %arg9: memref<64x128xf32, #tpu.memory_space<vmem>>, %arg10: memref<!tpu.dma_semaphore, #tpu.memory_space<semaphore_mem>>) attributes {dimension_semantics = [#tpu.dimension_semantics<core_parallel>, #tpu.dimension_semantics<subcore_parallel>], iteration_bounds = array<i64: 2, 16>, scalar_prefetch = 0 : i64, scratch_operands = 5 : i64, tpu.core_type = #tpu.core_type<sc_vector_subcore>, window_params = [{transform_indices = #map}, {transform_indices = #map1}, {transform_indices = #map1}, {transform_indices = #map1}]} {
    %mul3A = arith.constant 2 : i32
    %mul3A_0 = arith.muli %arg1, %mul3A : i32
    %add3A = arith.addi %mul3A_0, %arg0 : i32
    %mul3A_1 = arith.constant 2 : i32
    %mul3A_2 = arith.muli %add3A, %mul3A_1 : i32
    %mul3A_3 = arith.constant 64 : i32
    %mul3A_4 = arith.muli %mul3A_2, %mul3A_3 : i32
    "tpu.region"() ({
      %run_scoped3A = tpu.sem_alloc : memref<!tpu.dma_semaphore, #tpu.memory_space<semaphore_mem>>
      %dma_start3A_16 = tpu.memref_slice %arg2[%mul3A_4] : memref<4096xi32, #tpu.memory_space<hbm>> -> memref<128xi32, #tpu.memory_space<hbm>>
      %dma_start3A_17 = tpu.memref_slice %arg2[%mul3A_4] : memref<4096xi32, #tpu.memory_space<hbm>> -> memref<128xi32, #tpu.memory_space<hbm>>
      tpu.enqueue_dma source(%dma_start3A_17 : memref<128xi32, #tpu.memory_space<hbm>>) target(%arg6 : memref<128xi32, #tpu.memory_space<vmem>>) target_semaphore(%run_scoped3A : memref<!tpu.dma_semaphore, #tpu.memory_space<semaphore_mem>>)
      %dma_wait3A_18 = tpu.memref_slice %arg2[%mul3A_4] : memref<4096xi32, #tpu.memory_space<hbm>> -> memref<128xi32, #tpu.memory_space<hbm>>
      %dma_wait3A_19 = tpu.memref_slice %arg2[%mul3A_4] : memref<4096xi32, #tpu.memory_space<hbm>> -> memref<128xi32, #tpu.memory_space<hbm>>
      tpu.wait_dma2 semaphore(%run_scoped3A : memref<!tpu.dma_semaphore, #tpu.memory_space<semaphore_mem>>) src(%dma_wait3A_19 : memref<128xi32, #tpu.memory_space<hbm>>) dst(%arg6 : memref<128xi32, #tpu.memory_space<vmem>>)
      tpu.yield
    }) : () -> ()
    "tpu.region"() ({
      %run_scoped3A = tpu.sem_alloc : memref<!tpu.dma_semaphore, #tpu.memory_space<semaphore_mem>>
      %dma_start3A_16 = arith.constant 0 : i32
      %dma_start3A_17 = tpu.memref_slice %arg3[%mul3A_4, %dma_start3A_16] : memref<4096x128xf32, #tpu.memory_space<hbm>> -> memref<128x128xf32, #tpu.memory_space<hbm>>
      %dma_start3A_18 = arith.constant 0 : i32
      %dma_start3A_19 = tpu.memref_slice %arg3[%mul3A_4, %dma_start3A_18] : memref<4096x128xf32, #tpu.memory_space<hbm>> -> memref<128x128xf32, #tpu.memory_space<hbm>>
      tpu.enqueue_dma source(%dma_start3A_19 : memref<128x128xf32, #tpu.memory_space<hbm>>) target(%arg7 : memref<128x128xf32, #tpu.memory_space<vmem>>) target_semaphore(%run_scoped3A : memref<!tpu.dma_semaphore, #tpu.memory_space<semaphore_mem>>)
      %dma_wait3A_20 = arith.constant 0 : i32
      %dma_wait3A_21 = tpu.memref_slice %arg3[%mul3A_4, %dma_wait3A_20] : memref<4096x128xf32, #tpu.memory_space<hbm>> -> memref<128x128xf32, #tpu.memory_space<hbm>>
      %dma_wait3A_22 = arith.constant 0 : i32
      %dma_wait3A_23 = tpu.memref_slice %arg3[%mul3A_4, %dma_wait3A_22] : memref<4096x128xf32, #tpu.memory_space<hbm>> -> memref<128x128xf32, #tpu.memory_space<hbm>>
      tpu.wait_dma2 semaphore(%run_scoped3A : memref<!tpu.dma_semaphore, #tpu.memory_space<semaphore_mem>>) src(%dma_wait3A_23 : memref<128x128xf32, #tpu.memory_space<hbm>>) dst(%arg7 : memref<128x128xf32, #tpu.memory_space<vmem>>)
      tpu.yield
    }) : () -> ()
    %dma_start3A = arith.constant 0 : i32
    %dma_start3A_5 = arith.constant 0 : i32
    %dma_start3A_6 = tpu.memref_slice %arg4[%dma_start3A, %dma_start3A_5] : memref<4096x128xf32, #tpu.memory_space<hbm>> -> memref<4096x128xf32, #tpu.memory_space<hbm>>
    tpu.enqueue_indirect_dma source(%dma_start3A_6 : memref<4096x128xf32, #tpu.memory_space<hbm>>) target(%arg8 : memref<128x128xf32, #tpu.memory_space<vmem>>) offsets(%arg6 : memref<128xi32, #tpu.memory_space<vmem>>) semaphore(%arg10 : memref<!tpu.dma_semaphore, #tpu.memory_space<semaphore_mem>>)
    %dma_wait3A = arith.constant 0 : i32
    %dma_wait3A_7 = arith.constant 0 : i32
    %dma_wait3A_8 = tpu.memref_slice %arg4[%dma_wait3A, %dma_wait3A_7] : memref<4096x128xf32, #tpu.memory_space<hbm>> -> memref<4096x128xf32, #tpu.memory_space<hbm>>
    tpu.wait_indirect_dma semaphore(%arg10 : memref<!tpu.dma_semaphore, #tpu.memory_space<semaphore_mem>>) src(%dma_wait3A_8 : memref<4096x128xf32, #tpu.memory_space<hbm>>) dst(%arg8 : memref<128x128xf32, #tpu.memory_space<vmem>>)
    %scan3A = arith.constant 0 : i32
    %scan3A_9 = arith.constant 0 : i32
    %scan3A_10 = arith.constant 64 : i32
    %scan3A_11 = arith.addi %scan3A_9, %scan3A_10 : i32
    %scan3A_12 = arith.constant 1 : i32
    scf.for %scan3A_16 = %scan3A_9 to %scan3A_11 step %scan3A_12  : i32 {
      %mul3A_17 = arith.constant 2 : i32
      %mul3A_18 = arith.muli %mul3A_17, %scan3A_16 : i32
      %get3A = arith.index_cast %mul3A_18 : i32 to index
      %get3A_19 = arith.constant 0 : index
      %get3A_20 = tpu.vector_load %arg7[%get3A, %get3A_19] {strides = array<i32>} : memref<128x128xf32, #tpu.memory_space<vmem>>, vector<1x16xf32>,
      %get3A_21 = vector.shape_cast %get3A_20 : vector<1x16xf32> to vector<16xf32>
      %get3A_22 = arith.index_cast %mul3A_18 : i32 to index
      %get3A_23 = arith.constant 0 : index
      %get3A_24 = tpu.vector_load %arg8[%get3A_22, %get3A_23] {strides = array<i32>} : memref<128x128xf32, #tpu.memory_space<vmem>>, vector<1x16xf32>,
      %get3A_25 = vector.shape_cast %get3A_24 : vector<1x16xf32> to vector<16xf32>
      %mul3A_26 = arith.mulf %get3A_21, %get3A_25 : vector<16xf32>
      %add3A_27 = arith.constant 1 : i32
      %add3A_28 = arith.addi %mul3A_18, %add3A_27 : i32
      %get3A_29 = arith.index_cast %add3A_28 : i32 to index
      %get3A_30 = arith.constant 0 : index
      %get3A_31 = tpu.vector_load %arg7[%get3A_29, %get3A_30] {strides = array<i32>} : memref<128x128xf32, #tpu.memory_space<vmem>>, vector<1x16xf32>,
      %get3A_32 = vector.shape_cast %get3A_31 : vector<1x16xf32> to vector<16xf32>
      %add3A_33 = arith.constant 1 : i32
      %add3A_34 = arith.addi %mul3A_18, %add3A_33 : i32
      %get3A_35 = arith.index_cast %add3A_34 : i32 to index
      %get3A_36 = arith.constant 0 : index
      %get3A_37 = tpu.vector_load %arg8[%get3A_35, %get3A_36] {strides = array<i32>} : memref<128x128xf32, #tpu.memory_space<vmem>>, vector<1x16xf32>,
      %get3A_38 = vector.shape_cast %get3A_37 : vector<1x16xf32> to vector<16xf32>
      %mul3A_39 = arith.mulf %get3A_32, %get3A_38 : vector<16xf32>
      %add3A_40 = arith.addf %mul3A_26, %mul3A_39 : vector<16xf32>
      %swap3A = arith.index_cast %scan3A_16 : i32 to index
      %swap3A_41 = arith.constant 0 : index
      %swap3A_42 = tpu.vector_load %arg9[%swap3A, %swap3A_41] {strides = array<i32>} : memref<64x128xf32, #tpu.memory_space<vmem>>, vector<1x16xf32>,
      %swap3A_43 = vector.shape_cast %swap3A_42 : vector<1x16xf32> to vector<16xf32>
      %swap3A_44 = vector.shape_cast %add3A_40 : vector<16xf32> to vector<1x16xf32>
      tpu.vector_store %arg9[%swap3A, %swap3A_41], %swap3A_44 {strides = array<i32>} : memref<64x128xf32, #tpu.memory_space<vmem>>, vector<1x16xf32>,
      %get3A_45 = arith.index_cast %mul3A_18 : i32 to index
      %get3A_46 = arith.constant 16 : index
      %get3A_47 = tpu.vector_load %arg7[%get3A_45, %get3A_46] {strides = array<i32>} : memref<128x128xf32, #tpu.memory_space<vmem>>, vector<1x16xf32>,
      %get3A_48 = vector.shape_cast %get3A_47 : vector<1x16xf32> to vector<16xf32>
      %get3A_49 = arith.index_cast %mul3A_18 : i32 to index
      %get3A_50 = arith.constant 16 : index
      %get3A_51 = tpu.vector_load %arg8[%get3A_49, %get3A_50] {strides = array<i32>} : memref<128x128xf32, #tpu.memory_space<vmem>>, vector<1x16xf32>,
      %get3A_52 = vector.shape_cast %get3A_51 : vector<1x16xf32> to vector<16xf32>
      %mul3A_53 = arith.mulf %get3A_48, %get3A_52 : vector<16xf32>
      %add3A_54 = arith.constant 1 : i32
      %add3A_55 = arith.addi %mul3A_18, %add3A_54 : i32
      %get3A_56 = arith.index_cast %add3A_55 : i32 to index
      %get3A_57 = arith.constant 16 : index
      %get3A_58 = tpu.vector_load %arg7[%get3A_56, %get3A_57] {strides = array<i32>} : memref<128x128xf32, #tpu.memory_space<vmem>>, vector<1x16xf32>,
      %get3A_59 = vector.shape_cast %get3A_58 : vector<1x16xf32> to vector<16xf32>
      %add3A_60 = arith.constant 1 : i32
      %add3A_61 = arith.addi %mul3A_18, %add3A_60 : i32
      %get3A_62 = arith.index_cast %add3A_61 : i32 to index
      %get3A_63 = arith.constant 16 : index
      %get3A_64 = tpu.vector_load %arg8[%get3A_62, %get3A_63] {strides = array<i32>} : memref<128x128xf32, #tpu.memory_space<vmem>>, vector<1x16xf32>,
      %get3A_65 = vector.shape_cast %get3A_64 : vector<1x16xf32> to vector<16xf32>
      %mul3A_66 = arith.mulf %get3A_59, %get3A_65 : vector<16xf32>
      %add3A_67 = arith.addf %mul3A_53, %mul3A_66 : vector<16xf32>
      %swap3A_68 = arith.index_cast %scan3A_16 : i32 to index
      %swap3A_69 = arith.constant 16 : index
      %swap3A_70 = tpu.vector_load %arg9[%swap3A_68, %swap3A_69] {strides = array<i32>} : memref<64x128xf32, #tpu.memory_space<vmem>>, vector<1x16xf32>,
      %swap3A_71 = vector.shape_cast %swap3A_70 : vector<1x16xf32> to vector<16xf32>
      %swap3A_72 = vector.shape_cast %add3A_67 : vector<16xf32> to vector<1x16xf32>
      tpu.vector_store %arg9[%swap3A_68, %swap3A_69], %swap3A_72 {strides = array<i32>} : memref<64x128xf32, #tpu.memory_space<vmem>>, vector<1x16xf32>,
      %get3A_73 = arith.index_cast %mul3A_18 : i32 to index
      %get3A_74 = arith.constant 32 : index
      %get3A_75 = tpu.vector_load %arg7[%get3A_73, %get3A_74] {strides = array<i32>} : memref<128x128xf32, #tpu.memory_space<vmem>>, vector<1x16xf32>,
      %get3A_76 = vector.shape_cast %get3A_75 : vector<1x16xf32> to vector<16xf32>
      %get3A_77 = arith.index_cast %mul3A_18 : i32 to index
      %get3A_78 = arith.constant 32 : index
      %get3A_79 = tpu.vector_load %arg8[%get3A_77, %get3A_78] {strides = array<i32>} : memref<128x128xf32, #tpu.memory_space<vmem>>, vector<1x16xf32>,
      %get3A_80 = vector.shape_cast %get3A_79 : vector<1x16xf32> to vector<16xf32>
      %mul3A_81 = arith.mulf %get3A_76, %get3A_80 : vector<16xf32>
      %add3A_82 = arith.constant 1 : i32
      %add3A_83 = arith.addi %mul3A_18, %add3A_82 : i32
      %get3A_84 = arith.index_cast %add3A_83 : i32 to index
      %get3A_85 = arith.constant 32 : index
      %get3A_86 = tpu.vector_load %arg7[%get3A_84, %get3A_85] {strides = array<i32>} : memref<128x128xf32, #tpu.memory_space<vmem>>, vector<1x16xf32>,
      %get3A_87 = vector.shape_cast %get3A_86 : vector<1x16xf32> to vector<16xf32>
      %add3A_88 = arith.constant 1 : i32
      %add3A_89 = arith.addi %mul3A_18, %add3A_88 : i32
      %get3A_90 = arith.index_cast %add3A_89 : i32 to index
      %get3A_91 = arith.constant 32 : index
      %get3A_92 = tpu.vector_load %arg8[%get3A_90, %get3A_91] {strides = array<i32>} : memref<128x128xf32, #tpu.memory_space<vmem>>, vector<1x16xf32>,
      %get3A_93 = vector.shape_cast %get3A_92 : vector<1x16xf32> to vector<16xf32>
      %mul3A_94 = arith.mulf %get3A_87, %get3A_93 : vector<16xf32>
      %add3A_95 = arith.addf %mul3A_81, %mul3A_94 : vector<16xf32>
      %swap3A_96 = arith.index_cast %scan3A_16 : i32 to index
      %swap3A_97 = arith.constant 32 : index
      %swap3A_98 = tpu.vector_load %arg9[%swap3A_96, %swap3A_97] {strides = array<i32>} : memref<64x128xf32, #tpu.memory_space<vmem>>, vector<1x16xf32>,
      %swap3A_99 = vector.shape_cast %swap3A_98 : vector<1x16xf32> to vector<16xf32>
      %swap3A_100 = vector.shape_cast %add3A_95 : vector<16xf32> to vector<1x16xf32>
      tpu.vector_store %arg9[%swap3A_96, %swap3A_97], %swap3A_100 {strides = array<i32>} : memref<64x128xf32, #tpu.memory_space<vmem>>, vector<1x16xf32>,
      %get3A_101 = arith.index_cast %mul3A_18 : i32 to index
      %get3A_102 = arith.constant 48 : index
      %get3A_103 = tpu.vector_load %arg7[%get3A_101, %get3A_102] {strides = array<i32>} : memref<128x128xf32, #tpu.memory_space<vmem>>, vector<1x16xf32>,
      %get3A_104 = vector.shape_cast %get3A_103 : vector<1x16xf32> to vector<16xf32>
      %get3A_105 = arith.index_cast %mul3A_18 : i32 to index
      %get3A_106 = arith.constant 48 : index
      %get3A_107 = tpu.vector_load %arg8[%get3A_105, %get3A_106] {strides = array<i32>} : memref<128x128xf32, #tpu.memory_space<vmem>>, vector<1x16xf32>,
      %get3A_108 = vector.shape_cast %get3A_107 : vector<1x16xf32> to vector<16xf32>
      %mul3A_109 = arith.mulf %get3A_104, %get3A_108 : vector<16xf32>
      %add3A_110 = arith.constant 1 : i32
      %add3A_111 = arith.addi %mul3A_18, %add3A_110 : i32
      %get3A_112 = arith.index_cast %add3A_111 : i32 to index
      %get3A_113 = arith.constant 48 : index
      %get3A_114 = tpu.vector_load %arg7[%get3A_112, %get3A_113] {strides = array<i32>} : memref<128x128xf32, #tpu.memory_space<vmem>>, vector<1x16xf32>,
      %get3A_115 = vector.shape_cast %get3A_114 : vector<1x16xf32> to vector<16xf32>
      %add3A_116 = arith.constant 1 : i32
      %add3A_117 = arith.addi %mul3A_18, %add3A_116 : i32
      %get3A_118 = arith.index_cast %add3A_117 : i32 to index
      %get3A_119 = arith.constant 48 : index
      %get3A_120 = tpu.vector_load %arg8[%get3A_118, %get3A_119] {strides = array<i32>} : memref<128x128xf32, #tpu.memory_space<vmem>>, vector<1x16xf32>,
      %get3A_121 = vector.shape_cast %get3A_120 : vector<1x16xf32> to vector<16xf32>
      %mul3A_122 = arith.mulf %get3A_115, %get3A_121 : vector<16xf32>
      %add3A_123 = arith.addf %mul3A_109, %mul3A_122 : vector<16xf32>
      %swap3A_124 = arith.index_cast %scan3A_16 : i32 to index
      %swap3A_125 = arith.constant 48 : index
      %swap3A_126 = tpu.vector_load %arg9[%swap3A_124, %swap3A_125] {strides = array<i32>} : memref<64x128xf32, #tpu.memory_space<vmem>>, vector<1x16xf32>,
      %swap3A_127 = vector.shape_cast %swap3A_126 : vector<1x16xf32> to vector<16xf32>
      %swap3A_128 = vector.shape_cast %add3A_123 : vector<16xf32> to vector<1x16xf32>
      tpu.vector_store %arg9[%swap3A_124, %swap3A_125], %swap3A_128 {strides = array<i32>} : memref<64x128xf32, #tpu.memory_space<vmem>>, vector<1x16xf32>,
      %get3A_129 = arith.index_cast %mul3A_18 : i32 to index
      %get3A_130 = arith.constant 64 : index
      %get3A_131 = tpu.vector_load %arg7[%get3A_129, %get3A_130] {strides = array<i32>} : memref<128x128xf32, #tpu.memory_space<vmem>>, vector<1x16xf32>,
      %get3A_132 = vector.shape_cast %get3A_131 : vector<1x16xf32> to vector<16xf32>
      %get3A_133 = arith.index_cast %mul3A_18 : i32 to index
      %get3A_134 = arith.constant 64 : index
      %get3A_135 = tpu.vector_load %arg8[%get3A_133, %get3A_134] {strides = array<i32>} : memref<128x128xf32, #tpu.memory_space<vmem>>, vector<1x16xf32>,
      %get3A_136 = vector.shape_cast %get3A_135 : vector<1x16xf32> to vector<16xf32>
      %mul3A_137 = arith.mulf %get3A_132, %get3A_136 : vector<16xf32>
      %add3A_138 = arith.constant 1 : i32
      %add3A_139 = arith.addi %mul3A_18, %add3A_138 : i32
      %get3A_140 = arith.index_cast %add3A_139 : i32 to index
      %get3A_141 = arith.constant 64 : index
      %get3A_142 = tpu.vector_load %arg7[%get3A_140, %get3A_141] {strides = array<i32>} : memref<128x128xf32, #tpu.memory_space<vmem>>, vector<1x16xf32>,
      %get3A_143 = vector.shape_cast %get3A_142 : vector<1x16xf32> to vector<16xf32>
      %add3A_144 = arith.constant 1 : i32
      %add3A_145 = arith.addi %mul3A_18, %add3A_144 : i32
      %get3A_146 = arith.index_cast %add3A_145 : i32 to index
      %get3A_147 = arith.constant 64 : index
      %get3A_148 = tpu.vector_load %arg8[%get3A_146, %get3A_147] {strides = array<i32>} : memref<128x128xf32, #tpu.memory_space<vmem>>, vector<1x16xf32>,
      %get3A_149 = vector.shape_cast %get3A_148 : vector<1x16xf32> to vector<16xf32>
      %mul3A_150 = arith.mulf %get3A_143, %get3A_149 : vector<16xf32>
      %add3A_151 = arith.addf %mul3A_137, %mul3A_150 : vector<16xf32>
      %swap3A_152 = arith.index_cast %scan3A_16 : i32 to index
      %swap3A_153 = arith.constant 64 : index
      %swap3A_154 = tpu.vector_load %arg9[%swap3A_152, %swap3A_153] {strides = array<i32>} : memref<64x128xf32, #tpu.memory_space<vmem>>, vector<1x16xf32>,
      %swap3A_155 = vector.shape_cast %swap3A_154 : vector<1x16xf32> to vector<16xf32>
      %swap3A_156 = vector.shape_cast %add3A_151 : vector<16xf32> to vector<1x16xf32>
      tpu.vector_store %arg9[%swap3A_152, %swap3A_153], %swap3A_156 {strides = array<i32>} : memref<64x128xf32, #tpu.memory_space<vmem>>, vector<1x16xf32>,
      %get3A_157 = arith.index_cast %mul3A_18 : i32 to index
      %get3A_158 = arith.constant 80 : index
      %get3A_159 = tpu.vector_load %arg7[%get3A_157, %get3A_158] {strides = array<i32>} : memref<128x128xf32, #tpu.memory_space<vmem>>, vector<1x16xf32>,
      %get3A_160 = vector.shape_cast %get3A_159 : vector<1x16xf32> to vector<16xf32>
      %get3A_161 = arith.index_cast %mul3A_18 : i32 to index
      %get3A_162 = arith.constant 80 : index
      %get3A_163 = tpu.vector_load %arg8[%get3A_161, %get3A_162] {strides = array<i32>} : memref<128x128xf32, #tpu.memory_space<vmem>>, vector<1x16xf32>,
      %get3A_164 = vector.shape_cast %get3A_163 : vector<1x16xf32> to vector<16xf32>
      %mul3A_165 = arith.mulf %get3A_160, %get3A_164 : vector<16xf32>
      %add3A_166 = arith.constant 1 : i32
      %add3A_167 = arith.addi %mul3A_18, %add3A_166 : i32
      %get3A_168 = arith.index_cast %add3A_167 : i32 to index
      %get3A_169 = arith.constant 80 : index
      %get3A_170 = tpu.vector_load %arg7[%get3A_168, %get3A_169] {strides = array<i32>} : memref<128x128xf32, #tpu.memory_space<vmem>>, vector<1x16xf32>,
      %get3A_171 = vector.shape_cast %get3A_170 : vector<1x16xf32> to vector<16xf32>
      %add3A_172 = arith.constant 1 : i32
      %add3A_173 = arith.addi %mul3A_18, %add3A_172 : i32
      %get3A_174 = arith.index_cast %add3A_173 : i32 to index
      %get3A_175 = arith.constant 80 : index
      %get3A_176 = tpu.vector_load %arg8[%get3A_174, %get3A_175] {strides = array<i32>} : memref<128x128xf32, #tpu.memory_space<vmem>>, vector<1x16xf32>,
      %get3A_177 = vector.shape_cast %get3A_176 : vector<1x16xf32> to vector<16xf32>
      %mul3A_178 = arith.mulf %get3A_171, %get3A_177 : vector<16xf32>
      %add3A_179 = arith.addf %mul3A_165, %mul3A_178 : vector<16xf32>
      %swap3A_180 = arith.index_cast %scan3A_16 : i32 to index
      %swap3A_181 = arith.constant 80 : index
      %swap3A_182 = tpu.vector_load %arg9[%swap3A_180, %swap3A_181] {strides = array<i32>} : memref<64x128xf32, #tpu.memory_space<vmem>>, vector<1x16xf32>,
      %swap3A_183 = vector.shape_cast %swap3A_182 : vector<1x16xf32> to vector<16xf32>
      %swap3A_184 = vector.shape_cast %add3A_179 : vector<16xf32> to vector<1x16xf32>
      tpu.vector_store %arg9[%swap3A_180, %swap3A_181], %swap3A_184 {strides = array<i32>} : memref<64x128xf32, #tpu.memory_space<vmem>>, vector<1x16xf32>,
      %get3A_185 = arith.index_cast %mul3A_18 : i32 to index
      %get3A_186 = arith.constant 96 : index
      %get3A_187 = tpu.vector_load %arg7[%get3A_185, %get3A_186] {strides = array<i32>} : memref<128x128xf32, #tpu.memory_space<vmem>>, vector<1x16xf32>,
      %get3A_188 = vector.shape_cast %get3A_187 : vector<1x16xf32> to vector<16xf32>
      %get3A_189 = arith.index_cast %mul3A_18 : i32 to index
      %get3A_190 = arith.constant 96 : index
      %get3A_191 = tpu.vector_load %arg8[%get3A_189, %get3A_190] {strides = array<i32>} : memref<128x128xf32, #tpu.memory_space<vmem>>, vector<1x16xf32>,
      %get3A_192 = vector.shape_cast %get3A_191 : vector<1x16xf32> to vector<16xf32>
      %mul3A_193 = arith.mulf %get3A_188, %get3A_192 : vector<16xf32>
      %add3A_194 = arith.constant 1 : i32
      %add3A_195 = arith.addi %mul3A_18, %add3A_194 : i32
      %get3A_196 = arith.index_cast %add3A_195 : i32 to index
      %get3A_197 = arith.constant 96 : index
      %get3A_198 = tpu.vector_load %arg7[%get3A_196, %get3A_197] {strides = array<i32>} : memref<128x128xf32, #tpu.memory_space<vmem>>, vector<1x16xf32>,
      %get3A_199 = vector.shape_cast %get3A_198 : vector<1x16xf32> to vector<16xf32>
      %add3A_200 = arith.constant 1 : i32
      %add3A_201 = arith.addi %mul3A_18, %add3A_200 : i32
      %get3A_202 = arith.index_cast %add3A_201 : i32 to index
      %get3A_203 = arith.constant 96 : index
      %get3A_204 = tpu.vector_load %arg8[%get3A_202, %get3A_203] {strides = array<i32>} : memref<128x128xf32, #tpu.memory_space<vmem>>, vector<1x16xf32>,
      %get3A_205 = vector.shape_cast %get3A_204 : vector<1x16xf32> to vector<16xf32>
      %mul3A_206 = arith.mulf %get3A_199, %get3A_205 : vector<16xf32>
      %add3A_207 = arith.addf %mul3A_193, %mul3A_206 : vector<16xf32>
      %swap3A_208 = arith.index_cast %scan3A_16 : i32 to index
      %swap3A_209 = arith.constant 96 : index
      %swap3A_210 = tpu.vector_load %arg9[%swap3A_208, %swap3A_209] {strides = array<i32>} : memref<64x128xf32, #tpu.memory_space<vmem>>, vector<1x16xf32>,
      %swap3A_211 = vector.shape_cast %swap3A_210 : vector<1x16xf32> to vector<16xf32>
      %swap3A_212 = vector.shape_cast %add3A_207 : vector<16xf32> to vector<1x16xf32>
      tpu.vector_store %arg9[%swap3A_208, %swap3A_209], %swap3A_212 {strides = array<i32>} : memref<64x128xf32, #tpu.memory_space<vmem>>, vector<1x16xf32>,
      %get3A_213 = arith.index_cast %mul3A_18 : i32 to index
      %get3A_214 = arith.constant 112 : index
      %get3A_215 = tpu.vector_load %arg7[%get3A_213, %get3A_214] {strides = array<i32>} : memref<128x128xf32, #tpu.memory_space<vmem>>, vector<1x16xf32>,
      %get3A_216 = vector.shape_cast %get3A_215 : vector<1x16xf32> to vector<16xf32>
      %get3A_217 = arith.index_cast %mul3A_18 : i32 to index
      %get3A_218 = arith.constant 112 : index
      %get3A_219 = tpu.vector_load %arg8[%get3A_217, %get3A_218] {strides = array<i32>} : memref<128x128xf32, #tpu.memory_space<vmem>>, vector<1x16xf32>,
      %get3A_220 = vector.shape_cast %get3A_219 : vector<1x16xf32> to vector<16xf32>
      %mul3A_221 = arith.mulf %get3A_216, %get3A_220 : vector<16xf32>
      %add3A_222 = arith.constant 1 : i32
      %add3A_223 = arith.addi %mul3A_18, %add3A_222 : i32
      %get3A_224 = arith.index_cast %add3A_223 : i32 to index
      %get3A_225 = arith.constant 112 : index
      %get3A_226 = tpu.vector_load %arg7[%get3A_224, %get3A_225] {strides = array<i32>} : memref<128x128xf32, #tpu.memory_space<vmem>>, vector<1x16xf32>,
      %get3A_227 = vector.shape_cast %get3A_226 : vector<1x16xf32> to vector<16xf32>
      %add3A_228 = arith.constant 1 : i32
      %add3A_229 = arith.addi %mul3A_18, %add3A_228 : i32
      %get3A_230 = arith.index_cast %add3A_229 : i32 to index
      %get3A_231 = arith.constant 112 : index
      %get3A_232 = tpu.vector_load %arg8[%get3A_230, %get3A_231] {strides = array<i32>} : memref<128x128xf32, #tpu.memory_space<vmem>>, vector<1x16xf32>,
      %get3A_233 = vector.shape_cast %get3A_232 : vector<1x16xf32> to vector<16xf32>
      %mul3A_234 = arith.mulf %get3A_227, %get3A_233 : vector<16xf32>
      %add3A_235 = arith.addf %mul3A_221, %mul3A_234 : vector<16xf32>
      %swap3A_236 = arith.index_cast %scan3A_16 : i32 to index
      %swap3A_237 = arith.constant 112 : index
      %swap3A_238 = tpu.vector_load %arg9[%swap3A_236, %swap3A_237] {strides = array<i32>} : memref<64x128xf32, #tpu.memory_space<vmem>>, vector<1x16xf32>,
      %swap3A_239 = vector.shape_cast %swap3A_238 : vector<1x16xf32> to vector<16xf32>
      %swap3A_240 = vector.shape_cast %add3A_235 : vector<16xf32> to vector<1x16xf32>
      tpu.vector_store %arg9[%swap3A_236, %swap3A_237], %swap3A_240 {strides = array<i32>} : memref<64x128xf32, #tpu.memory_space<vmem>>, vector<1x16xf32>,
    }
    %scan3A_13 = arith.constant 64 : i32
    %mul3A_14 = arith.constant 64 : i32
    %mul3A_15 = arith.muli %add3A, %mul3A_14 : i32
    "tpu.region"() ({
      %run_scoped3A = tpu.sem_alloc : memref<!tpu.dma_semaphore, #tpu.memory_space<semaphore_mem>>
      %dma_start3A_16 = arith.constant 0 : i32
      %dma_start3A_17 = tpu.memref_slice %arg5[%mul3A_15, %dma_start3A_16] : memref<2048x128xf32, #tpu.memory_space<hbm>> -> memref<64x128xf32, #tpu.memory_space<hbm>>
      %dma_start3A_18 = arith.constant 0 : i32
      %dma_start3A_19 = tpu.memref_slice %arg5[%mul3A_15, %dma_start3A_18] : memref<2048x128xf32, #tpu.memory_space<hbm>> -> memref<64x128xf32, #tpu.memory_space<hbm>>
      tpu.enqueue_dma source(%arg9 : memref<64x128xf32, #tpu.memory_space<vmem>>) target(%dma_start3A_19 : memref<64x128xf32, #tpu.memory_space<hbm>>) target_semaphore(%run_scoped3A : memref<!tpu.dma_semaphore, #tpu.memory_space<semaphore_mem>>)
      %dma_wait3A_20 = arith.constant 0 : i32
      %dma_wait3A_21 = tpu.memref_slice %arg5[%mul3A_15, %dma_wait3A_20] : memref<2048x128xf32, #tpu.memory_space<hbm>> -> memref<64x128xf32, #tpu.memory_space<hbm>>
      %dma_wait3A_22 = arith.constant 0 : i32
      %dma_wait3A_23 = tpu.memref_slice %arg5[%mul3A_15, %dma_wait3A_22] : memref<2048x128xf32, #tpu.memory_space<hbm>> -> memref<64x128xf32, #tpu.memory_space<hbm>>
      tpu.wait_dma2 semaphore(%run_scoped3A : memref<!tpu.dma_semaphore, #tpu.memory_space<semaphore_mem>>) src(%arg9 : memref<64x128xf32, #tpu.memory_space<vmem>>) dst(%dma_wait3A_23 : memref<64x128xf32, #tpu.memory_space<hbm>>)
      tpu.yield
    }) : () -> ()
    return
  }
}

#map = affine_map<(d0, d1) -> (0)>
#map1 = affine_map<(d0, d1) -> (0, 0)>
module attributes {stable_mosaic.version = 14 : i64} {
  func.func @_dispatch_kernel(%arg0: i32, %arg1: i32, %arg2: memref<2048xi32, #tpu.memory_space<hbm>>, %arg3: memref<2048xi32, #tpu.memory_space<hbm>>, %arg4: memref<2048x768xf32, #tpu.memory_space<hbm>>, %arg5: memref<4096x768xf32, #tpu.memory_space<hbm>>, %arg6: memref<64xi32, #tpu.memory_space<vmem>>, %arg7: memref<64xi32, #tpu.memory_space<vmem>>, %arg8: memref<64x768xf32, #tpu.memory_space<vmem>>, %arg9: memref<!tpu.dma_semaphore, #tpu.memory_space<semaphore_mem>>) attributes {dimension_semantics = [#tpu.dimension_semantics<core_parallel>, #tpu.dimension_semantics<subcore_parallel>], iteration_bounds = array<i64: 2, 16>, scalar_prefetch = 0 : i64, scratch_operands = 4 : i64, tpu.core_type = #tpu.core_type<sc_vector_subcore>, window_params = [{transform_indices = #map}, {transform_indices = #map}, {transform_indices = #map1}, {transform_indices = #map1}]} {
    %mul3A = arith.constant 2 : i32
    %mul3A_0 = arith.muli %arg1, %mul3A : i32
    %add3A = arith.addi %mul3A_0, %arg0 : i32
    %mul3A_1 = arith.constant 64 : i32
    %mul3A_2 = arith.muli %add3A, %mul3A_1 : i32
    "tpu.region"() ({
      %run_scoped3A = tpu.sem_alloc : memref<!tpu.dma_semaphore, #tpu.memory_space<semaphore_mem>>
      %dma_start3A_13 = tpu.memref_slice %arg2[%mul3A_2] : memref<2048xi32, #tpu.memory_space<hbm>> -> memref<64xi32, #tpu.memory_space<hbm>>
      %dma_start3A_14 = tpu.memref_slice %arg2[%mul3A_2] : memref<2048xi32, #tpu.memory_space<hbm>> -> memref<64xi32, #tpu.memory_space<hbm>>
      tpu.enqueue_dma source(%dma_start3A_14 : memref<64xi32, #tpu.memory_space<hbm>>) target(%arg6 : memref<64xi32, #tpu.memory_space<vmem>>) target_semaphore(%run_scoped3A : memref<!tpu.dma_semaphore, #tpu.memory_space<semaphore_mem>>)
      %dma_wait3A_15 = tpu.memref_slice %arg2[%mul3A_2] : memref<2048xi32, #tpu.memory_space<hbm>> -> memref<64xi32, #tpu.memory_space<hbm>>
      %dma_wait3A_16 = tpu.memref_slice %arg2[%mul3A_2] : memref<2048xi32, #tpu.memory_space<hbm>> -> memref<64xi32, #tpu.memory_space<hbm>>
      tpu.wait_dma2 semaphore(%run_scoped3A : memref<!tpu.dma_semaphore, #tpu.memory_space<semaphore_mem>>) src(%dma_wait3A_16 : memref<64xi32, #tpu.memory_space<hbm>>) dst(%arg6 : memref<64xi32, #tpu.memory_space<vmem>>)
      tpu.yield
    }) : () -> ()
    "tpu.region"() ({
      %run_scoped3A = tpu.sem_alloc : memref<!tpu.dma_semaphore, #tpu.memory_space<semaphore_mem>>
      %dma_start3A_13 = tpu.memref_slice %arg3[%mul3A_2] : memref<2048xi32, #tpu.memory_space<hbm>> -> memref<64xi32, #tpu.memory_space<hbm>>
      %dma_start3A_14 = tpu.memref_slice %arg3[%mul3A_2] : memref<2048xi32, #tpu.memory_space<hbm>> -> memref<64xi32, #tpu.memory_space<hbm>>
      tpu.enqueue_dma source(%dma_start3A_14 : memref<64xi32, #tpu.memory_space<hbm>>) target(%arg7 : memref<64xi32, #tpu.memory_space<vmem>>) target_semaphore(%run_scoped3A : memref<!tpu.dma_semaphore, #tpu.memory_space<semaphore_mem>>)
      %dma_wait3A_15 = tpu.memref_slice %arg3[%mul3A_2] : memref<2048xi32, #tpu.memory_space<hbm>> -> memref<64xi32, #tpu.memory_space<hbm>>
      %dma_wait3A_16 = tpu.memref_slice %arg3[%mul3A_2] : memref<2048xi32, #tpu.memory_space<hbm>> -> memref<64xi32, #tpu.memory_space<hbm>>
      tpu.wait_dma2 semaphore(%run_scoped3A : memref<!tpu.dma_semaphore, #tpu.memory_space<semaphore_mem>>) src(%dma_wait3A_16 : memref<64xi32, #tpu.memory_space<hbm>>) dst(%arg7 : memref<64xi32, #tpu.memory_space<vmem>>)
      tpu.yield
    }) : () -> ()
    "tpu.region"() ({
      %run_scoped3A = tpu.sem_alloc : memref<!tpu.dma_semaphore, #tpu.memory_space<semaphore_mem>>
      %dma_start3A_13 = arith.constant 0 : i32
      %dma_start3A_14 = tpu.memref_slice %arg4[%mul3A_2, %dma_start3A_13] : memref<2048x768xf32, #tpu.memory_space<hbm>> -> memref<64x768xf32, #tpu.memory_space<hbm>>
      %dma_start3A_15 = arith.constant 0 : i32
      %dma_start3A_16 = tpu.memref_slice %arg4[%mul3A_2, %dma_start3A_15] : memref<2048x768xf32, #tpu.memory_space<hbm>> -> memref<64x768xf32, #tpu.memory_space<hbm>>
      tpu.enqueue_dma source(%dma_start3A_16 : memref<64x768xf32, #tpu.memory_space<hbm>>) target(%arg8 : memref<64x768xf32, #tpu.memory_space<vmem>>) target_semaphore(%run_scoped3A : memref<!tpu.dma_semaphore, #tpu.memory_space<semaphore_mem>>)
      %dma_wait3A_17 = arith.constant 0 : i32
      %dma_wait3A_18 = tpu.memref_slice %arg4[%mul3A_2, %dma_wait3A_17] : memref<2048x768xf32, #tpu.memory_space<hbm>> -> memref<64x768xf32, #tpu.memory_space<hbm>>
      %dma_wait3A_19 = arith.constant 0 : i32
      %dma_wait3A_20 = tpu.memref_slice %arg4[%mul3A_2, %dma_wait3A_19] : memref<2048x768xf32, #tpu.memory_space<hbm>> -> memref<64x768xf32, #tpu.memory_space<hbm>>
      tpu.wait_dma2 semaphore(%run_scoped3A : memref<!tpu.dma_semaphore, #tpu.memory_space<semaphore_mem>>) src(%dma_wait3A_20 : memref<64x768xf32, #tpu.memory_space<hbm>>) dst(%arg8 : memref<64x768xf32, #tpu.memory_space<vmem>>)
      tpu.yield
    }) : () -> ()
    %dma_start3A = arith.constant 0 : i32
    %dma_start3A_3 = arith.constant 0 : i32
    %dma_start3A_4 = tpu.memref_slice %arg5[%dma_start3A, %dma_start3A_3] : memref<4096x768xf32, #tpu.memory_space<hbm>> -> memref<4096x768xf32, #tpu.memory_space<hbm>>
    tpu.enqueue_indirect_dma source(%arg8 : memref<64x768xf32, #tpu.memory_space<vmem>>) target(%dma_start3A_4 : memref<4096x768xf32, #tpu.memory_space<hbm>>) offsets(%arg6 : memref<64xi32, #tpu.memory_space<vmem>>) semaphore(%arg9 : memref<!tpu.dma_semaphore, #tpu.memory_space<semaphore_mem>>)
    %dma_wait3A = arith.constant 0 : i32
    %dma_wait3A_5 = arith.constant 0 : i32
    %dma_wait3A_6 = tpu.memref_slice %arg5[%dma_wait3A, %dma_wait3A_5] : memref<4096x768xf32, #tpu.memory_space<hbm>> -> memref<4096x768xf32, #tpu.memory_space<hbm>>
    tpu.wait_indirect_dma semaphore(%arg9 : memref<!tpu.dma_semaphore, #tpu.memory_space<semaphore_mem>>) src(%arg8 : memref<64x768xf32, #tpu.memory_space<vmem>>) dst(%dma_wait3A_6 : memref<4096x768xf32, #tpu.memory_space<hbm>>)
    %dma_start3A_7 = arith.constant 0 : i32
    %dma_start3A_8 = arith.constant 0 : i32
    %dma_start3A_9 = tpu.memref_slice %arg5[%dma_start3A_7, %dma_start3A_8] : memref<4096x768xf32, #tpu.memory_space<hbm>> -> memref<4096x768xf32, #tpu.memory_space<hbm>>
    tpu.enqueue_indirect_dma source(%arg8 : memref<64x768xf32, #tpu.memory_space<vmem>>) target(%dma_start3A_9 : memref<4096x768xf32, #tpu.memory_space<hbm>>) offsets(%arg7 : memref<64xi32, #tpu.memory_space<vmem>>) semaphore(%arg9 : memref<!tpu.dma_semaphore, #tpu.memory_space<semaphore_mem>>)
    %dma_wait3A_10 = arith.constant 0 : i32
    %dma_wait3A_11 = arith.constant 0 : i32
    %dma_wait3A_12 = tpu.memref_slice %arg5[%dma_wait3A_10, %dma_wait3A_11] : memref<4096x768xf32, #tpu.memory_space<hbm>> -> memref<4096x768xf32, #tpu.memory_space<hbm>>
    tpu.wait_indirect_dma semaphore(%arg9 : memref<!tpu.dma_semaphore, #tpu.memory_space<semaphore_mem>>) src(%arg8 : memref<64x768xf32, #tpu.memory_space<vmem>>) dst(%dma_wait3A_12 : memref<4096x768xf32, #tpu.memory_space<hbm>>)
    return
  }
}

module attributes {stable_mosaic.version = 14 : i64} {
  func.func @_pos_kernel(%arg0: memref<4096x1xi32, #tpu.memory_space<vmem>>, %arg1: memref<4096x1xf32, #tpu.memory_space<vmem>>, %arg2: memref<4096x1xi32, #tpu.memory_space<vmem>>, %arg3: memref<4096x1xi32, #tpu.memory_space<vmem>>, %arg4: memref<2048x1xi32, #tpu.memory_space<vmem>>, %arg5: memref<2048x1xi32, #tpu.memory_space<vmem>>, %arg6: memref<4096x128xf32, #tpu.memory_space<vmem>>, %arg7: memref<8x64xf32, #tpu.memory_space<vmem>>) attributes {dimension_semantics = [], scalar_prefetch = 0 : i64, scratch_operands = 1 : i64, tpu.core_type = #tpu.core_type<tc>} {
    %iota3A = tpu.iota {dimensions = array<i32: 1>} : vector<512x64xi32>
    %scan3A = arith.constant 0 : i32
    %scan3A_0 = arith.constant 8 : i32
    %scan3A_1 = arith.addi %scan3A, %scan3A_0 : i32
    %scan3A_2 = arith.constant 1 : i32
    scf.for %scan3A_39 = %scan3A to %scan3A_1 step %scan3A_2  : i32 {
      %mul3A_40 = arith.constant 512 : i32
      %mul3A_41 = arith.muli %scan3A_39, %mul3A_40 : i32
      %get3A_42 = arith.index_cast %mul3A_41 : i32 to index
      %get3A_43 = arith.constant 0 : index
      %get3A_44 = vector.load %arg0[%get3A_42, %get3A_43] : memref<4096x1xi32, #tpu.memory_space<vmem>>, vector<512x1xi32>
      %eq3A_45 = vector.broadcast %get3A_44 : vector<512x1xi32> to vector<512x64xi32>
      %eq3A_46 = arith.cmpi eq, %eq3A_45, %iota3A : vector<512x64xi32>
      %convert_element_type3A_47 = arith.extui %eq3A_46 : vector<512x64xi1> to vector<512x64xi32>
      %convert_element_type3A_48 = arith.sitofp %convert_element_type3A_47 : vector<512x64xi32> to vector<512x64xf32>
      %reduce_sum3A_49 = arith.constant dense<0.000000e+00> : vector<64xf32>
      %reduce_sum3A_50 = vector.multi_reduction <add>, %convert_element_type3A_48, %reduce_sum3A_49 [0] : vector<512x64xf32> to vector<64xf32>
      %broadcast_in_dim3A_51 = vector.shape_cast %reduce_sum3A_50 : vector<64xf32> to vector<1x64xf32>
      %swap3A = arith.index_cast %scan3A_39 : i32 to index
      %swap3A_52 = arith.constant 0 : index
      %swap3A_53 = vector.load %arg7[%swap3A, %swap3A_52] : memref<8x64xf32, #tpu.memory_space<vmem>>, vector<1x64xf32>
      tpu.vector_store %arg7[%swap3A, %swap3A_52], %broadcast_in_dim3A_51 {strides = array<i32>} : memref<8x64xf32, #tpu.memory_space<vmem>>, vector<1x64xf32>,
    }
    %scan3A_3 = arith.constant 8 : i32
    %get3A = arith.constant 0 : index
    %get3A_4 = arith.constant 0 : index
    %get3A_5 = vector.load %arg7[%get3A, %get3A_4] : memref<8x64xf32, #tpu.memory_space<vmem>>, vector<8x64xf32>
    %reduce_sum3A = arith.constant dense<0.000000e+00> : vector<64xf32>
    %reduce_sum3A_6 = vector.multi_reduction <add>, %get3A_5, %reduce_sum3A [0] : vector<8x64xf32> to vector<64xf32>
    %broadcast_in_dim3A = vector.shape_cast %reduce_sum3A_6 : vector<64xf32> to vector<1x64xf32>
    %iota3A_7 = tpu.iota {dimensions = array<i32: 0>} : vector<64x64xi32>
    %iota3A_8 = tpu.iota {dimensions = array<i32: 1>} : vector<64x64xi32>
    %lt3A = arith.cmpi slt, %iota3A_7, %iota3A_8 : vector<64x64xi32>
    %convert_element_type3A = arith.extui %lt3A : vector<64x64xi1> to vector<64x64xi32>
    %convert_element_type3A_9 = arith.sitofp %convert_element_type3A : vector<64x64xi32> to vector<64x64xf32>
    %dot_general3A = arith.constant dense<0.000000e+00> : vector<1x64xf32>
    %dot_general3A_10 = tpu.matmul %broadcast_in_dim3A, %convert_element_type3A_9, %dot_general3A {dimension_numbers = #tpu.dot_dimension_numbers<[1], [0], [0], [1], [0, 0, 1, 1], [], []>, precision = #tpu.contract_precision<fp32>, transpose_lhs_hint = false} : vector<1x64xf32>, vector<64x64xf32>, vector<1x64xf32> -> vector<1x64xf32>
    %iota3A_11 = tpu.iota {dimensions = array<i32: 0>} : vector<512x512xi32>
    %iota3A_12 = tpu.iota {dimensions = array<i32: 1>} : vector<512x512xi32>
    %lt3A_13 = arith.cmpi slt, %iota3A_12, %iota3A_11 : vector<512x512xi32>
    %convert_element_type3A_14 = arith.extui %lt3A_13 : vector<512x512xi1> to vector<512x512xi32>
    %convert_element_type3A_15 = arith.sitofp %convert_element_type3A_14 : vector<512x512xi32> to vector<512x512xf32>
    %iota3A_16 = tpu.iota {dimensions = array<i32: 0>} : vector<512x1xi32>
    %iota3A_17 = tpu.iota {dimensions = array<i32: 0>} : vector<256x512xi32>
    %iota3A_18 = tpu.iota {dimensions = array<i32: 1>} : vector<256x512xi32>
    %mul3A = arith.constant 2 : i32
    %mul3A_19 = vector.broadcast %mul3A : i32 to vector<256x512xi32>
    %mul3A_20 = arith.muli %mul3A_19, %iota3A_17 : vector<256x512xi32>
    %eq3A = arith.cmpi eq, %iota3A_18, %mul3A_20 : vector<256x512xi32>
    %convert_element_type3A_21 = arith.extui %eq3A : vector<256x512xi1> to vector<256x512xi32>
    %convert_element_type3A_22 = arith.sitofp %convert_element_type3A_21 : vector<256x512xi32> to vector<256x512xf32>
    %mul3A_23 = arith.constant 2 : i32
    %mul3A_24 = vector.broadcast %mul3A_23 : i32 to vector<256x512xi32>
    %mul3A_25 = arith.muli %mul3A_24, %iota3A_17 : vector<256x512xi32>
    %add3A = arith.constant 1 : i32
    %add3A_26 = vector.broadcast %add3A : i32 to vector<256x512xi32>
    %add3A_27 = arith.addi %mul3A_25, %add3A_26 : vector<256x512xi32>
    %eq3A_28 = arith.cmpi eq, %iota3A_18, %add3A_27 : vector<256x512xi32>
    %convert_element_type3A_29 = arith.extui %eq3A_28 : vector<256x512xi1> to vector<256x512xi32>
    %convert_element_type3A_30 = arith.sitofp %convert_element_type3A_29 : vector<256x512xi32> to vector<256x512xf32>
    %broadcast_in_dim3A_31 = arith.constant 0.000000e+00 : f32
    %broadcast_in_dim3A_32 = vector.broadcast %broadcast_in_dim3A_31 : f32 to vector<1x64xf32>
    %scan3A_33 = arith.constant 0 : i32
    %scan3A_34 = arith.constant 8 : i32
    %scan3A_35 = arith.addi %scan3A_33, %scan3A_34 : i32
    %scan3A_36 = arith.constant 1 : i32
    %scan3A_37 = scf.for %scan3A_39 = %scan3A_33 to %scan3A_35 step %scan3A_36 iter_args(%scan3A_40 = %broadcast_in_dim3A_32) -> (vector<1x64xf32>)  : i32 {
      %mul3A_41 = arith.constant 512 : i32
      %mul3A_42 = arith.muli %scan3A_39, %mul3A_41 : i32
      %get3A_43 = arith.index_cast %mul3A_42 : i32 to index
      %get3A_44 = arith.constant 0 : index
      %get3A_45 = vector.load %arg0[%get3A_43, %get3A_44] : memref<4096x1xi32, #tpu.memory_space<vmem>>, vector<512x1xi32>
      %eq3A_46 = vector.broadcast %get3A_45 : vector<512x1xi32> to vector<512x64xi32>
      %eq3A_47 = arith.cmpi eq, %eq3A_46, %iota3A : vector<512x64xi32>
      %convert_element_type3A_48 = arith.extui %eq3A_47 : vector<512x64xi1> to vector<512x64xi32>
      %convert_element_type3A_49 = arith.sitofp %convert_element_type3A_48 : vector<512x64xi32> to vector<512x64xf32>
      %dot_general3A_50 = arith.constant dense<0.000000e+00> : vector<512x64xf32>
      %dot_general3A_51 = tpu.matmul %convert_element_type3A_15, %convert_element_type3A_49, %dot_general3A_50 {dimension_numbers = #tpu.dot_dimension_numbers<[1], [0], [0], [1], [0, 0, 1, 1], [], []>, transpose_lhs_hint = false} : vector<512x512xf32>, vector<512x64xf32>, vector<512x64xf32> -> vector<512x64xf32>
      %mul3A_52 = arith.mulf %dot_general3A_51, %convert_element_type3A_49 : vector<512x64xf32>
      %reduce_sum3A_53 = arith.constant dense<0.000000e+00> : vector<512xf32>
      %reduce_sum3A_54 = vector.multi_reduction <add>, %mul3A_52, %reduce_sum3A_53 [1] : vector<512x64xf32> to vector<512xf32>
      %broadcast_in_dim3A_55 = vector.shape_cast %reduce_sum3A_54 : vector<512xf32> to vector<512x1xf32>
      %add3A_56 = arith.addf %dot_general3A_10, %scan3A_40 : vector<1x64xf32>
      %mul3A_57 = vector.broadcast %add3A_56 : vector<1x64xf32> to vector<512x64xf32>
      %mul3A_58 = arith.mulf %mul3A_57, %convert_element_type3A_49 : vector<512x64xf32>
      %reduce_sum3A_59 = arith.constant dense<0.000000e+00> : vector<512xf32>
      %reduce_sum3A_60 = vector.multi_reduction <add>, %mul3A_58, %reduce_sum3A_59 [1] : vector<512x64xf32> to vector<512xf32>
      %broadcast_in_dim3A_61 = vector.shape_cast %reduce_sum3A_60 : vector<512xf32> to vector<512x1xf32>
      %add3A_62 = arith.addf %broadcast_in_dim3A_55, %broadcast_in_dim3A_61 : vector<512x1xf32>
      %convert_element_type3A_63 = arith.fptosi %add3A_62 : vector<512x1xf32> to vector<512x1xi32>
      %mul3A_64 = arith.constant 512 : i32
      %mul3A_65 = arith.muli %scan3A_39, %mul3A_64 : i32
      %swap3A = arith.index_cast %mul3A_65 : i32 to index
      %swap3A_66 = arith.constant 0 : index
      %swap3A_67 = vector.load %arg2[%swap3A, %swap3A_66] : memref<4096x1xi32, #tpu.memory_space<vmem>>, vector<512x1xi32>
      tpu.vector_store %arg2[%swap3A, %swap3A_66], %convert_element_type3A_63 {strides = array<i32>} : memref<4096x1xi32, #tpu.memory_space<vmem>>, vector<512x1xi32>,
      %dot_general3A_68 = arith.constant dense<0.000000e+00> : vector<256x1xf32>
      %dot_general3A_69 = tpu.matmul %convert_element_type3A_22, %add3A_62, %dot_general3A_68 {dimension_numbers = #tpu.dot_dimension_numbers<[1], [0], [0], [1], [0, 0, 1, 1], [], []>, precision = #tpu.contract_precision<fp32>, transpose_lhs_hint = false} : vector<256x512xf32>, vector<512x1xf32>, vector<256x1xf32> -> vector<256x1xf32>
      %convert_element_type3A_70 = arith.fptosi %dot_general3A_69 : vector<256x1xf32> to vector<256x1xi32>
      %mul3A_71 = arith.constant 256 : i32
      %mul3A_72 = arith.muli %scan3A_39, %mul3A_71 : i32
      %swap3A_73 = arith.index_cast %mul3A_72 : i32 to index
      %swap3A_74 = arith.constant 0 : index
      %swap3A_75 = vector.load %arg4[%swap3A_73, %swap3A_74] : memref<2048x1xi32, #tpu.memory_space<vmem>>, vector<256x1xi32>
      tpu.vector_store %arg4[%swap3A_73, %swap3A_74], %convert_element_type3A_70 {strides = array<i32>} : memref<2048x1xi32, #tpu.memory_space<vmem>>, vector<256x1xi32>,
      %dot_general3A_76 = arith.constant dense<0.000000e+00> : vector<256x1xf32>
      %dot_general3A_77 = tpu.matmul %convert_element_type3A_30, %add3A_62, %dot_general3A_76 {dimension_numbers = #tpu.dot_dimension_numbers<[1], [0], [0], [1], [0, 0, 1, 1], [], []>, precision = #tpu.contract_precision<fp32>, transpose_lhs_hint = false} : vector<256x512xf32>, vector<512x1xf32>, vector<256x1xf32> -> vector<256x1xf32>
      %convert_element_type3A_78 = arith.fptosi %dot_general3A_77 : vector<256x1xf32> to vector<256x1xi32>
      %mul3A_79 = arith.constant 256 : i32
      %mul3A_80 = arith.muli %scan3A_39, %mul3A_79 : i32
      %swap3A_81 = arith.index_cast %mul3A_80 : i32 to index
      %swap3A_82 = arith.constant 0 : index
      %swap3A_83 = vector.load %arg5[%swap3A_81, %swap3A_82] : memref<2048x1xi32, #tpu.memory_space<vmem>>, vector<256x1xi32>
      tpu.vector_store %arg5[%swap3A_81, %swap3A_82], %convert_element_type3A_78 {strides = array<i32>} : memref<2048x1xi32, #tpu.memory_space<vmem>>, vector<256x1xi32>,
      %mul3A_84 = arith.constant 512 : i32
      %mul3A_85 = arith.muli %scan3A_39, %mul3A_84 : i32
      %add3A_86 = vector.broadcast %mul3A_85 : i32 to vector<512x1xi32>
      %add3A_87 = arith.addi %add3A_86, %iota3A_16 : vector<512x1xi32>
      %convert_element_type3A_88 = arith.fptosi %dot_general3A_10 : vector<1x64xf32> to vector<1x64xi32>
      %ge3A = vector.broadcast %add3A_87 : vector<512x1xi32> to vector<512x64xi32>
      %ge3A_89 = vector.broadcast %convert_element_type3A_88 : vector<1x64xi32> to vector<512x64xi32>
      %ge3A_90 = arith.cmpi sge, %ge3A, %ge3A_89 : vector<512x64xi32>
      %convert_element_type3A_91 = arith.extui %ge3A_90 : vector<512x64xi1> to vector<512x64xi32>
      %reduce_sum3A_92 = arith.constant dense<0> : vector<512xi32>
      %reduce_sum3A_93 = vector.multi_reduction <add>, %convert_element_type3A_91, %reduce_sum3A_92 [1] : vector<512x64xi32> to vector<512xi32>
      %broadcast_in_dim3A_94 = vector.shape_cast %reduce_sum3A_93 : vector<512xi32> to vector<512x1xi32>
      %sub3A = arith.constant 1 : i32
      %sub3A_95 = vector.broadcast %sub3A : i32 to vector<512x1xi32>
      %sub3A_96 = arith.subi %broadcast_in_dim3A_94, %sub3A_95 : vector<512x1xi32>
      %mul3A_97 = arith.constant 512 : i32
      %mul3A_98 = arith.muli %scan3A_39, %mul3A_97 : i32
      %swap3A_99 = arith.index_cast %mul3A_98 : i32 to index
      %swap3A_100 = arith.constant 0 : index
      %swap3A_101 = vector.load %arg3[%swap3A_99, %swap3A_100] : memref<4096x1xi32, #tpu.memory_space<vmem>>, vector<512x1xi32>
      tpu.vector_store %arg3[%swap3A_99, %swap3A_100], %sub3A_96 {strides = array<i32>} : memref<4096x1xi32, #tpu.memory_space<vmem>>, vector<512x1xi32>,
      %mul3A_102 = arith.constant 512 : i32
      %mul3A_103 = arith.muli %scan3A_39, %mul3A_102 : i32
      %get3A_104 = arith.index_cast %mul3A_103 : i32 to index
      %get3A_105 = arith.constant 0 : index
      %get3A_106 = vector.load %arg1[%get3A_104, %get3A_105] : memref<4096x1xf32, #tpu.memory_space<vmem>>, vector<512x1xf32>
      %broadcast_in_dim3A_107 = vector.shape_cast %get3A_106 : vector<512x1xf32> to vector<512x1xf32>
      %broadcast_in_dim3A_108 = vector.broadcast %broadcast_in_dim3A_107 : vector<512x1xf32> to vector<512x128xf32>
      %mul3A_109 = arith.constant 512 : i32
      %mul3A_110 = arith.muli %scan3A_39, %mul3A_109 : i32
      %swap3A_111 = arith.index_cast %mul3A_110 : i32 to index
      %swap3A_112 = arith.constant 0 : index
      %swap3A_113 = vector.load %arg6[%swap3A_111, %swap3A_112] : memref<4096x128xf32, #tpu.memory_space<vmem>>, vector<512x128xf32>
      tpu.vector_store %arg6[%swap3A_111, %swap3A_112], %broadcast_in_dim3A_108 {strides = array<i32>} : memref<4096x128xf32, #tpu.memory_space<vmem>>, vector<512x128xf32>,
      %reduce_sum3A_114 = arith.constant dense<0.000000e+00> : vector<64xf32>
      %reduce_sum3A_115 = vector.multi_reduction <add>, %convert_element_type3A_49, %reduce_sum3A_114 [0] : vector<512x64xf32> to vector<64xf32>
      %broadcast_in_dim3A_116 = vector.shape_cast %reduce_sum3A_115 : vector<64xf32> to vector<1x64xf32>
      %add3A_117 = arith.addf %scan3A_40, %broadcast_in_dim3A_116 : vector<1x64xf32>
      scf.yield %add3A_117 : vector<1x64xf32>
    }
    %scan3A_38 = arith.constant 8 : i32
    return
  }
}

module attributes {stable_mosaic.version = 14 : i64} {
  func.func @_gate_kernel(%arg0: i32, %arg1: memref<256x768xf32, #tpu.memory_space<vmem>>, %arg2: memref<64x768xf32, #tpu.memory_space<vmem>>, %arg3: memref<64xf32, #tpu.memory_space<vmem>>, %arg4: memref<256x64xf32, #tpu.memory_space<vmem>>, %arg5: memref<256x2xi32, #tpu.memory_space<vmem>>, %arg6: memref<256x2xf32, #tpu.memory_space<vmem>>, %arg7: memref<1x1xf32, #tpu.memory_space<vmem>>) attributes {dimension_semantics = [#tpu.dimension_semantics<arbitrary>], iteration_bounds = array<i64: 8>, scalar_prefetch = 0 : i64, scratch_operands = 0 : i64, tpu.core_type = #tpu.core_type<tc>, window_params = [{transform_indices = @transform_0, window_bounds = array<i64: 256, 768>}, {pipeline_mode = #tpu.pipeline_mode<synchronous>, transform_indices = @transform_1, window_bounds = array<i64: 64, 768>}, {pipeline_mode = #tpu.pipeline_mode<synchronous>, transform_indices = @transform_2, window_bounds = array<i64: 64>}, {transform_indices = @transform_3, window_bounds = array<i64: 256, 64>}, {transform_indices = @transform_4, window_bounds = array<i64: 256, 2>}, {transform_indices = @transform_5, window_bounds = array<i64: 256, 2>}, {pipeline_mode = #tpu.pipeline_mode<synchronous>, transform_indices = @transform_6, window_bounds = array<i64: 1, 1>}]} {
    %get3A = arith.constant 0 : index
    %get3A_0 = arith.constant 0 : index
    %get3A_1 = vector.load %arg1[%get3A, %get3A_0] : memref<256x768xf32, #tpu.memory_space<vmem>>, vector<256x768xf32>
    %get3A_2 = arith.constant 0 : index
    %get3A_3 = arith.constant 0 : index
    %get3A_4 = vector.load %arg2[%get3A_2, %get3A_3] : memref<64x768xf32, #tpu.memory_space<vmem>>, vector<64x768xf32>
    %dot_general3A = arith.constant dense<0.000000e+00> : vector<256x64xf32>
    %dot_general3A_5 = tpu.matmul %get3A_1, %get3A_4, %dot_general3A {dimension_numbers = #tpu.dot_dimension_numbers<[1], [1], [0], [0], [0, 0, 1, 0], [], []>, transpose_lhs_hint = false} : vector<256x768xf32>, vector<64x768xf32>, vector<256x64xf32> -> vector<256x64xf32>
    %get3A_6 = arith.constant 0 : index
    %get3A_7 = vector.load %arg3[%get3A_6] : memref<64xf32, #tpu.memory_space<vmem>>, vector<64xf32>
    %broadcast_in_dim3A = vector.shape_cast %get3A_7 : vector<64xf32> to vector<1x64xf32>
    %add3A = vector.broadcast %broadcast_in_dim3A : vector<1x64xf32> to vector<256x64xf32>
    %add3A_8 = arith.addf %dot_general3A_5, %add3A : vector<256x64xf32>
    %swap3A = arith.constant 0 : index
    %swap3A_9 = arith.constant 0 : index
    %swap3A_10 = vector.load %arg4[%swap3A, %swap3A_9] : memref<256x64xf32, #tpu.memory_space<vmem>>, vector<256x64xf32>
    tpu.vector_store %arg4[%swap3A, %swap3A_9], %add3A_8 {strides = array<i32>} : memref<256x64xf32, #tpu.memory_space<vmem>>, vector<256x64xf32>,
    %reduce_max3A = arith.constant dense<0xFF800000> : vector<256xf32>
    %reduce_max3A_11 = vector.multi_reduction <maximumf>, %add3A_8, %reduce_max3A [1] : vector<256x64xf32> to vector<256xf32>
    %broadcast_in_dim3A_12 = vector.shape_cast %reduce_max3A_11 : vector<256xf32> to vector<256x1xf32>
    %sub3A = vector.broadcast %broadcast_in_dim3A_12 : vector<256x1xf32> to vector<256x64xf32>
    %sub3A_13 = arith.subf %add3A_8, %sub3A : vector<256x64xf32>
    %exp3A = math.exp %sub3A_13 : vector<256x64xf32>
    %reduce_sum3A = arith.constant dense<0.000000e+00> : vector<256xf32>
    %reduce_sum3A_14 = vector.multi_reduction <add>, %exp3A, %reduce_sum3A [1] : vector<256x64xf32> to vector<256xf32>
    %broadcast_in_dim3A_15 = vector.shape_cast %reduce_sum3A_14 : vector<256xf32> to vector<256x1xf32>
    %div3A = vector.broadcast %broadcast_in_dim3A_15 : vector<256x1xf32> to vector<256x64xf32>
    %div3A_16 = arith.divf %exp3A, %div3A : vector<256x64xf32>
    %neg3A = arith.constant 0.000000e+00 : f32
    %neg3A_17 = vector.broadcast %neg3A : f32 to vector<256x64xf32>
    %neg3A_18 = arith.subf %neg3A_17, %div3A_16 : vector<256x64xf32>
    %add3A_19 = arith.constant 9.99999971E-10 : f32
    %add3A_20 = vector.broadcast %add3A_19 : f32 to vector<256x64xf32>
    %add3A_21 = arith.addf %div3A_16, %add3A_20 : vector<256x64xf32>
    %log3A = math.log %add3A_21 : vector<256x64xf32>
    %mul3A = arith.mulf %neg3A_18, %log3A : vector<256x64xf32>
    %reduce_sum3A_22 = arith.constant dense<0.000000e+00> : vector<256xf32>
    %reduce_sum3A_23 = vector.multi_reduction <add>, %mul3A, %reduce_sum3A_22 [1] : vector<256x64xf32> to vector<256xf32>
    %broadcast_in_dim3A_24 = vector.shape_cast %reduce_sum3A_23 : vector<256xf32> to vector<256x1xf32>
    %reduce_sum3A_25 = arith.constant dense<0.000000e+00> : vector<1xf32>
    %reduce_sum3A_26 = vector.multi_reduction <add>, %broadcast_in_dim3A_24, %reduce_sum3A_25 [0] : vector<256x1xf32> to vector<1xf32>
    %broadcast_in_dim3A_27 = vector.shape_cast %reduce_sum3A_26 : vector<1xf32> to vector<1x1xf32>
    %div3A_28 = arith.constant 2.048000e+03 : f32
    %div3A_29 = vector.broadcast %div3A_28 : f32 to vector<1x1xf32>
    %div3A_30 = arith.divf %broadcast_in_dim3A_27, %div3A_29 : vector<1x1xf32>
    %eq3A = arith.constant 0 : i32
    %eq3A_31 = arith.cmpi eq, %arg0, %eq3A : i32
    %convert_element_type3A = arith.extui %eq3A_31 : i1 to i32
    %cond3A = arith.constant 0 : i32
    %cond3A_32 = arith.cmpi ne, %convert_element_type3A, %cond3A : i32
    scf.if %cond3A_32 {
      %swap3A_80 = arith.constant 0 : index
      %swap3A_81 = arith.constant 0 : index
      %swap3A_82 = vector.load %arg7[%swap3A_80, %swap3A_81] : memref<1x1xf32, #tpu.memory_space<vmem>>, vector<1x1xf32>
      tpu.vector_store %arg7[%swap3A_80, %swap3A_81], %div3A_30 {strides = array<i32>} : memref<1x1xf32, #tpu.memory_space<vmem>>, vector<1x1xf32>,
    } else {
    }
    %gt3A = arith.constant 0 : i32
    %gt3A_33 = arith.cmpi sgt, %arg0, %gt3A : i32
    %convert_element_type3A_34 = arith.extui %gt3A_33 : i1 to i32
    %cond3A_35 = arith.constant 0 : i32
    %cond3A_36 = arith.cmpi ne, %convert_element_type3A_34, %cond3A_35 : i32
    scf.if %cond3A_36 {
      %get3A_80 = arith.constant 0 : index
      %get3A_81 = arith.constant 0 : index
      %get3A_82 = vector.load %arg7[%get3A_80, %get3A_81] : memref<1x1xf32, #tpu.memory_space<vmem>>, vector<1x1xf32>
      %add3A_83 = arith.addf %get3A_82, %div3A_30 : vector<1x1xf32>
      %swap3A_84 = arith.constant 0 : index
      %swap3A_85 = arith.constant 0 : index
      %swap3A_86 = vector.load %arg7[%swap3A_84, %swap3A_85] : memref<1x1xf32, #tpu.memory_space<vmem>>, vector<1x1xf32>
      tpu.vector_store %arg7[%swap3A_84, %swap3A_85], %add3A_83 {strides = array<i32>} : memref<1x1xf32, #tpu.memory_space<vmem>>, vector<1x1xf32>,
    } else {
    }
    %iota3A = tpu.iota {dimensions = array<i32: 1>} : vector<256x64xi32>
    %reduce_max3A_37 = arith.constant dense<0xFF800000> : vector<256xf32>
    %reduce_max3A_38 = vector.multi_reduction <maximumf>, %div3A_16, %reduce_max3A_37 [1] : vector<256x64xf32> to vector<256xf32>
    %broadcast_in_dim3A_39 = vector.shape_cast %reduce_max3A_38 : vector<256xf32> to vector<256x1xf32>
    %eq3A_40 = vector.broadcast %broadcast_in_dim3A_39 : vector<256x1xf32> to vector<256x64xf32>
    %eq3A_41 = arith.cmpf oeq, %div3A_16, %eq3A_40 : vector<256x64xf32>
    %jit3A = arith.constant 64 : i32
    %broadcast_in_dim3A_42 = vector.broadcast %jit3A : i32 to vector<256x64xi32>
    %select_n3A = arith.select %eq3A_41, %iota3A, %broadcast_in_dim3A_42 : vector<256x64xi1>, vector<256x64xi32>
    %reduce_min3A = arith.constant dense<2147483647> : vector<256xi32>
    %reduce_min3A_43 = vector.multi_reduction <minsi>, %select_n3A, %reduce_min3A [1] : vector<256x64xi32> to vector<256xi32>
    %broadcast_in_dim3A_44 = vector.shape_cast %reduce_min3A_43 : vector<256xi32> to vector<256x1xi32>
    %eq3A_45 = vector.broadcast %broadcast_in_dim3A_44 : vector<256x1xi32> to vector<256x64xi32>
    %eq3A_46 = arith.cmpi eq, %iota3A, %eq3A_45 : vector<256x64xi32>
    %jit3A_47 = arith.constant 0xFF800000 : f32
    %broadcast_in_dim3A_48 = vector.broadcast %jit3A_47 : f32 to vector<256x64xf32>
    %select_n3A_49 = arith.select %eq3A_46, %broadcast_in_dim3A_48, %div3A_16 : vector<256x64xi1>, vector<256x64xf32>
    %reduce_max3A_50 = arith.constant dense<0xFF800000> : vector<256xf32>
    %reduce_max3A_51 = vector.multi_reduction <maximumf>, %select_n3A_49, %reduce_max3A_50 [1] : vector<256x64xf32> to vector<256xf32>
    %broadcast_in_dim3A_52 = vector.shape_cast %reduce_max3A_51 : vector<256xf32> to vector<256x1xf32>
    %eq3A_53 = vector.broadcast %broadcast_in_dim3A_52 : vector<256x1xf32> to vector<256x64xf32>
    %eq3A_54 = arith.cmpf oeq, %select_n3A_49, %eq3A_53 : vector<256x64xf32>
    %jit3A_55 = arith.constant 64 : i32
    %broadcast_in_dim3A_56 = vector.broadcast %jit3A_55 : i32 to vector<256x64xi32>
    %select_n3A_57 = arith.select %eq3A_54, %iota3A, %broadcast_in_dim3A_56 : vector<256x64xi1>, vector<256x64xi32>
    %reduce_min3A_58 = arith.constant dense<2147483647> : vector<256xi32>
    %reduce_min3A_59 = vector.multi_reduction <minsi>, %select_n3A_57, %reduce_min3A_58 [1] : vector<256x64xi32> to vector<256xi32>
    %broadcast_in_dim3A_60 = vector.shape_cast %reduce_min3A_59 : vector<256xi32> to vector<256x1xi32>
    %concatenate3A = tpu.concatenate %broadcast_in_dim3A_44, %broadcast_in_dim3A_60 in 1 : vector<256x1xi32>, vector<256x1xi32> -> vector<256x2xi32>
    %swap3A_61 = arith.constant 0 : index
    %swap3A_62 = arith.constant 0 : index
    %swap3A_63 = vector.load %arg5[%swap3A_61, %swap3A_62] : memref<256x2xi32, #tpu.memory_space<vmem>>, vector<256x2xi32>
    tpu.vector_store %arg5[%swap3A_61, %swap3A_62], %concatenate3A {strides = array<i32>} : memref<256x2xi32, #tpu.memory_space<vmem>>, vector<256x2xi32>,
    %sub3A_64 = arith.subf %broadcast_in_dim3A_52, %broadcast_in_dim3A_39 : vector<256x1xf32>
    %exp3A_65 = math.exp %sub3A_64 : vector<256x1xf32>
    %add3A_66 = arith.constant 1.000000e+00 : f32
    %add3A_67 = vector.broadcast %add3A_66 : f32 to vector<256x1xf32>
    %add3A_68 = arith.addf %add3A_67, %exp3A_65 : vector<256x1xf32>
    %div3A_69 = arith.constant 1.000000e+00 : f32
    %div3A_70 = vector.broadcast %div3A_69 : f32 to vector<256x1xf32>
    %div3A_71 = arith.divf %div3A_70, %add3A_68 : vector<256x1xf32>
    %add3A_72 = arith.constant 1.000000e+00 : f32
    %add3A_73 = vector.broadcast %add3A_72 : f32 to vector<256x1xf32>
    %add3A_74 = arith.addf %add3A_73, %exp3A_65 : vector<256x1xf32>
    %div3A_75 = arith.divf %exp3A_65, %add3A_74 : vector<256x1xf32>
    %concatenate3A_76 = tpu.concatenate %div3A_71, %div3A_75 in 1 : vector<256x1xf32>, vector<256x1xf32> -> vector<256x2xf32>
    %swap3A_77 = arith.constant 0 : index
    %swap3A_78 = arith.constant 0 : index
    %swap3A_79 = vector.load %arg6[%swap3A_77, %swap3A_78] : memref<256x2xf32, #tpu.memory_space<vmem>>, vector<256x2xf32>
    tpu.vector_store %arg6[%swap3A_77, %swap3A_78], %concatenate3A_76 {strides = array<i32>} : memref<256x2xf32, #tpu.memory_space<vmem>>, vector<256x2xf32>,
    return
  }
  func.func @transform_0(%arg0: i32) -> (i32, i32) {
    %c0_i32 = arith.constant 0 : i32
    %c0_i32_0 = arith.constant 0 : i32
    return %arg0, %c0_i32 : i32, i32
  }
  func.func @transform_1(%arg0: i32) -> (i32, i32) {
    %c0_i32 = arith.constant 0 : i32
    %c0_i32_0 = arith.constant 0 : i32
    %c0_i32_1 = arith.constant 0 : i32
    return %c0_i32, %c0_i32_0 : i32, i32
  }
  func.func @transform_2(%arg0: i32) -> i32 {
    %c0_i32 = arith.constant 0 : i32
    %c0_i32_0 = arith.constant 0 : i32
    return %c0_i32 : i32
  }
  func.func @transform_3(%arg0: i32) -> (i32, i32) {
    %c0_i32 = arith.constant 0 : i32
    %c0_i32_0 = arith.constant 0 : i32
    return %arg0, %c0_i32 : i32, i32
  }
  func.func @transform_4(%arg0: i32) -> (i32, i32) {
    %c0_i32 = arith.constant 0 : i32
    %c0_i32_0 = arith.constant 0 : i32
    return %arg0, %c0_i32 : i32, i32
  }
  func.func @transform_5(%arg0: i32) -> (i32, i32) {
    %c0_i32 = arith.constant 0 : i32
    %c0_i32_0 = arith.constant 0 : i32
    return %arg0, %c0_i32 : i32, i32
  }
  func.func @transform_6(%arg0: i32) -> (i32, i32) {
    %c0_i32 = arith.constant 0 : i32
    %c0_i32_0 = arith.constant 0 : i32
    %c0_i32_1 = arith.constant 0 : i32
    return %c0_i32, %c0_i32_0 : i32, i32
  }
}

module attributes {stable_mosaic.version = 14 : i64} {
  func.func @_moe_kernel(%arg0: i32, %arg1: memref<256x768xf32, #tpu.memory_space<vmem>>, %arg2: memref<256x1xi32, #tpu.memory_space<vmem>>, %arg3: memref<64x768x64xbf16, #tpu.memory_space<vmem>>, %arg4: memref<64x64xf32, #tpu.memory_space<vmem>>, %arg5: memref<64x64x64xbf16, #tpu.memory_space<vmem>>, %arg6: memref<64x64xf32, #tpu.memory_space<vmem>>, %arg7: memref<256x128xf32, #tpu.memory_space<vmem>>) attributes {dimension_semantics = [#tpu.dimension_semantics<arbitrary>], iteration_bounds = array<i64: 16>, scalar_prefetch = 0 : i64, scratch_operands = 0 : i64, tpu.core_type = #tpu.core_type<tc>, window_params = [{transform_indices = @transform_0, window_bounds = array<i64: 256, 768>}, {transform_indices = @transform_1, window_bounds = array<i64: 256, 1>}, {pipeline_mode = #tpu.pipeline_mode<synchronous>, transform_indices = @transform_2, window_bounds = array<i64: 64, 768, 64>}, {pipeline_mode = #tpu.pipeline_mode<synchronous>, transform_indices = @transform_3, window_bounds = array<i64: 64, 64>}, {pipeline_mode = #tpu.pipeline_mode<synchronous>, transform_indices = @transform_4, window_bounds = array<i64: 64, 64, 64>}, {pipeline_mode = #tpu.pipeline_mode<synchronous>, transform_indices = @transform_5, window_bounds = array<i64: 64, 64>}, {transform_indices = @transform_6, window_bounds = array<i64: 256, 128>}]} {
    %get3A = arith.constant 0 : index
    %get3A_0 = arith.constant 0 : index
    %get3A_1 = vector.load %arg2[%get3A, %get3A_0] : memref<256x1xi32, #tpu.memory_space<vmem>>, vector<256x1xi32>
    %reduce_min3A = vector.shape_cast %get3A_1 : vector<256x1xi32> to vector<1x256x1xi32>
    %reduce_min3A_2 = arith.constant dense<2147483647> : vector<1xi32>
    %reduce_min3A_3 = vector.multi_reduction <minsi>, %reduce_min3A, %reduce_min3A_2 [1, 2] : vector<1x256x1xi32> to vector<1xi32>
    %reduce_min3A_4 = vector.shape_cast %reduce_min3A_3 : vector<1xi32> to vector<1x1x1xi32>
    %reduce_min3A_5 = vector.extract %reduce_min3A_4[0, 0, 0] : i32 from vector<1x1x1xi32>
    %reduce_max3A = vector.shape_cast %get3A_1 : vector<256x1xi32> to vector<1x256x1xi32>
    %reduce_max3A_6 = arith.constant dense<-2147483648> : vector<1xi32>
    %reduce_max3A_7 = vector.multi_reduction <maxsi>, %reduce_max3A, %reduce_max3A_6 [1, 2] : vector<1x256x1xi32> to vector<1xi32>
    %reduce_max3A_8 = vector.shape_cast %reduce_max3A_7 : vector<1xi32> to vector<1x1x1xi32>
    %reduce_max3A_9 = vector.extract %reduce_max3A_8[0, 0, 0] : i32 from vector<1x1x1xi32>
    %get3A_10 = arith.constant 0 : index
    %get3A_11 = arith.constant 0 : index
    %get3A_12 = vector.load %arg1[%get3A_10, %get3A_11] : memref<256x768xf32, #tpu.memory_space<vmem>>, vector<256x768xf32>
    %convert_element_type3A = arith.truncf %get3A_12 : vector<256x768xf32> to vector<256x768xbf16>
    %add3A = arith.constant 1 : i32
    %add3A_13 = arith.addi %reduce_max3A_9, %add3A : i32
    %broadcast_in_dim3A = arith.constant 0.000000e+00 : f32
    %broadcast_in_dim3A_14 = vector.broadcast %broadcast_in_dim3A : f32 to vector<256x64xf32>
    %while3A = arith.subi %add3A_13, %reduce_min3A_5 : i32
    %while3A_15 = arith.addi %reduce_min3A_5, %while3A : i32
    %while3A_16 = arith.constant 1 : i32
    %while3A_17 = arith.divsi %while3A, %while3A_16 : i32
    %while3A_18 = arith.muli %while3A_17, %while3A_16 : i32
    %while3A_19 = arith.addi %reduce_min3A_5, %while3A_18 : i32
    %while3A_20 = arith.constant 1 : i32
    %while3A_21 = scf.for %while3A_28 = %reduce_min3A_5 to %while3A_19 step %while3A_20 iter_args(%while3A_29 = %broadcast_in_dim3A_14) -> (vector<256x64xf32>)  : i32 {
      %get3A_30 = arith.index_cast %while3A_28 : i32 to index
      %get3A_31 = arith.constant 0 : index
      %get3A_32 = arith.constant 0 : index
      %get3A_33 = vector.load %arg3[%get3A_30, %get3A_31, %get3A_32] : memref<64x768x64xbf16, #tpu.memory_space<vmem>>, vector<1x768x64xbf16>
      %get3A_34 = vector.shape_cast %get3A_33 : vector<1x768x64xbf16> to vector<768x64xbf16>
      %dot_general3A = arith.constant dense<0.000000e+00> : vector<256x64xf32>
      %dot_general3A_35 = tpu.matmul %convert_element_type3A, %get3A_34, %dot_general3A {dimension_numbers = #tpu.dot_dimension_numbers<[1], [0], [0], [1], [0, 0, 1, 1], [], []>, transpose_lhs_hint = false} : vector<256x768xbf16>, vector<768x64xbf16>, vector<256x64xf32> -> vector<256x64xf32>
      %get3A_36 = arith.index_cast %while3A_28 : i32 to index
      %get3A_37 = arith.constant 0 : index
      %get3A_38 = vector.load %arg4[%get3A_36, %get3A_37] : memref<64x64xf32, #tpu.memory_space<vmem>>, vector<1x64xf32>
      %add3A_39 = vector.broadcast %get3A_38 : vector<1x64xf32> to vector<256x64xf32>
      %add3A_40 = arith.addf %dot_general3A_35, %add3A_39 : vector<256x64xf32>
      %max3A = arith.constant 0.000000e+00 : f32
      %max3A_41 = vector.broadcast %max3A : f32 to vector<256x64xf32>
      %max3A_42 = arith.maximumf %add3A_40, %max3A_41 : vector<256x64xf32>
      %convert_element_type3A_43 = arith.truncf %max3A_42 : vector<256x64xf32> to vector<256x64xbf16>
      %get3A_44 = arith.index_cast %while3A_28 : i32 to index
      %get3A_45 = arith.constant 0 : index
      %get3A_46 = arith.constant 0 : index
      %get3A_47 = vector.load %arg5[%get3A_44, %get3A_45, %get3A_46] : memref<64x64x64xbf16, #tpu.memory_space<vmem>>, vector<1x64x64xbf16>
      %get3A_48 = vector.shape_cast %get3A_47 : vector<1x64x64xbf16> to vector<64x64xbf16>
      %dot_general3A_49 = arith.constant dense<0.000000e+00> : vector<256x64xf32>
      %dot_general3A_50 = tpu.matmul %convert_element_type3A_43, %get3A_48, %dot_general3A_49 {dimension_numbers = #tpu.dot_dimension_numbers<[1], [0], [0], [1], [0, 0, 1, 1], [], []>, transpose_lhs_hint = false} : vector<256x64xbf16>, vector<64x64xbf16>, vector<256x64xf32> -> vector<256x64xf32>
      %get3A_51 = arith.index_cast %while3A_28 : i32 to index
      %get3A_52 = arith.constant 0 : index
      %get3A_53 = vector.load %arg6[%get3A_51, %get3A_52] : memref<64x64xf32, #tpu.memory_space<vmem>>, vector<1x64xf32>
      %add3A_54 = vector.broadcast %get3A_53 : vector<1x64xf32> to vector<256x64xf32>
      %add3A_55 = arith.addf %dot_general3A_50, %add3A_54 : vector<256x64xf32>
      %eq3A = vector.broadcast %while3A_28 : i32 to vector<256x1xi32>
      %eq3A_56 = arith.cmpi eq, %get3A_1, %eq3A : vector<256x1xi32>
      %broadcast_in_dim3A_57 = vector.shape_cast %eq3A_56 : vector<256x1xi1> to vector<256x1xi1>
      %broadcast_in_dim3A_58 = vector.broadcast %broadcast_in_dim3A_57 : vector<256x1xi1> to vector<256x64xi1>
      %select_n3A = arith.select %broadcast_in_dim3A_58, %add3A_55, %while3A_29 : vector<256x64xi1>, vector<256x64xf32>
      scf.yield %select_n3A : vector<256x64xf32>
    }
    %while3A_22 = arith.constant 1 : i32
    %while3A_23 = scf.for %while3A_28 = %while3A_19 to %while3A_15 step %while3A_22 iter_args(%while3A_29 = %while3A_21) -> (vector<256x64xf32>)  : i32 {
      %get3A_30 = arith.index_cast %while3A_28 : i32 to index
      %get3A_31 = arith.constant 0 : index
      %get3A_32 = arith.constant 0 : index
      %get3A_33 = vector.load %arg3[%get3A_30, %get3A_31, %get3A_32] : memref<64x768x64xbf16, #tpu.memory_space<vmem>>, vector<1x768x64xbf16>
      %get3A_34 = vector.shape_cast %get3A_33 : vector<1x768x64xbf16> to vector<768x64xbf16>
      %dot_general3A = arith.constant dense<0.000000e+00> : vector<256x64xf32>
      %dot_general3A_35 = tpu.matmul %convert_element_type3A, %get3A_34, %dot_general3A {dimension_numbers = #tpu.dot_dimension_numbers<[1], [0], [0], [1], [0, 0, 1, 1], [], []>, transpose_lhs_hint = false} : vector<256x768xbf16>, vector<768x64xbf16>, vector<256x64xf32> -> vector<256x64xf32>
      %get3A_36 = arith.index_cast %while3A_28 : i32 to index
      %get3A_37 = arith.constant 0 : index
      %get3A_38 = vector.load %arg4[%get3A_36, %get3A_37] : memref<64x64xf32, #tpu.memory_space<vmem>>, vector<1x64xf32>
      %add3A_39 = vector.broadcast %get3A_38 : vector<1x64xf32> to vector<256x64xf32>
      %add3A_40 = arith.addf %dot_general3A_35, %add3A_39 : vector<256x64xf32>
      %max3A = arith.constant 0.000000e+00 : f32
      %max3A_41 = vector.broadcast %max3A : f32 to vector<256x64xf32>
      %max3A_42 = arith.maximumf %add3A_40, %max3A_41 : vector<256x64xf32>
      %convert_element_type3A_43 = arith.truncf %max3A_42 : vector<256x64xf32> to vector<256x64xbf16>
      %get3A_44 = arith.index_cast %while3A_28 : i32 to index
      %get3A_45 = arith.constant 0 : index
      %get3A_46 = arith.constant 0 : index
      %get3A_47 = vector.load %arg5[%get3A_44, %get3A_45, %get3A_46] : memref<64x64x64xbf16, #tpu.memory_space<vmem>>, vector<1x64x64xbf16>
      %get3A_48 = vector.shape_cast %get3A_47 : vector<1x64x64xbf16> to vector<64x64xbf16>
      %dot_general3A_49 = arith.constant dense<0.000000e+00> : vector<256x64xf32>
      %dot_general3A_50 = tpu.matmul %convert_element_type3A_43, %get3A_48, %dot_general3A_49 {dimension_numbers = #tpu.dot_dimension_numbers<[1], [0], [0], [1], [0, 0, 1, 1], [], []>, transpose_lhs_hint = false} : vector<256x64xbf16>, vector<64x64xbf16>, vector<256x64xf32> -> vector<256x64xf32>
      %get3A_51 = arith.index_cast %while3A_28 : i32 to index
      %get3A_52 = arith.constant 0 : index
      %get3A_53 = vector.load %arg6[%get3A_51, %get3A_52] : memref<64x64xf32, #tpu.memory_space<vmem>>, vector<1x64xf32>
      %add3A_54 = vector.broadcast %get3A_53 : vector<1x64xf32> to vector<256x64xf32>
      %add3A_55 = arith.addf %dot_general3A_50, %add3A_54 : vector<256x64xf32>
      %eq3A = vector.broadcast %while3A_28 : i32 to vector<256x1xi32>
      %eq3A_56 = arith.cmpi eq, %get3A_1, %eq3A : vector<256x1xi32>
      %broadcast_in_dim3A_57 = vector.shape_cast %eq3A_56 : vector<256x1xi1> to vector<256x1xi1>
      %broadcast_in_dim3A_58 = vector.broadcast %broadcast_in_dim3A_57 : vector<256x1xi1> to vector<256x64xi1>
      %select_n3A = arith.select %broadcast_in_dim3A_58, %add3A_55, %while3A_29 : vector<256x64xi1>, vector<256x64xf32>
      scf.yield %select_n3A : vector<256x64xf32>
    }
    %broadcast_in_dim3A_24 = arith.constant 0.000000e+00 : f32
    %broadcast_in_dim3A_25 = vector.broadcast %broadcast_in_dim3A_24 : f32 to vector<256x64xf32>
    %concatenate3A = tpu.concatenate %while3A_23, %broadcast_in_dim3A_25 in 1 : vector<256x64xf32>, vector<256x64xf32> -> vector<256x128xf32>
    %swap3A = arith.constant 0 : index
    %swap3A_26 = arith.constant 0 : index
    %swap3A_27 = vector.load %arg7[%swap3A, %swap3A_26] : memref<256x128xf32, #tpu.memory_space<vmem>>, vector<256x128xf32>
    tpu.vector_store %arg7[%swap3A, %swap3A_26], %concatenate3A {strides = array<i32>} : memref<256x128xf32, #tpu.memory_space<vmem>>, vector<256x128xf32>,
    return
  }
  func.func @transform_0(%arg0: i32) -> (i32, i32) {
    %c0_i32 = arith.constant 0 : i32
    %c0_i32_0 = arith.constant 0 : i32
    return %arg0, %c0_i32 : i32, i32
  }
  func.func @transform_1(%arg0: i32) -> (i32, i32) {
    %c0_i32 = arith.constant 0 : i32
    %c0_i32_0 = arith.constant 0 : i32
    return %arg0, %c0_i32 : i32, i32
  }
  func.func @transform_2(%arg0: i32) -> (i32, i32, i32) {
    %c0_i32 = arith.constant 0 : i32
    %c0_i32_0 = arith.constant 0 : i32
    %c0_i32_1 = arith.constant 0 : i32
    %c0_i32_2 = arith.constant 0 : i32
    return %c0_i32, %c0_i32_0, %c0_i32_1 : i32, i32, i32
  }
  func.func @transform_3(%arg0: i32) -> (i32, i32) {
    %c0_i32 = arith.constant 0 : i32
    %c0_i32_0 = arith.constant 0 : i32
    %c0_i32_1 = arith.constant 0 : i32
    return %c0_i32, %c0_i32_0 : i32, i32
  }
  func.func @transform_4(%arg0: i32) -> (i32, i32, i32) {
    %c0_i32 = arith.constant 0 : i32
    %c0_i32_0 = arith.constant 0 : i32
    %c0_i32_1 = arith.constant 0 : i32
    %c0_i32_2 = arith.constant 0 : i32
    return %c0_i32, %c0_i32_0, %c0_i32_1 : i32, i32, i32
  }
  func.func @transform_5(%arg0: i32) -> (i32, i32) {
    %c0_i32 = arith.constant 0 : i32
    %c0_i32_0 = arith.constant 0 : i32
    %c0_i32_1 = arith.constant 0 : i32
    return %c0_i32, %c0_i32_0 : i32, i32
  }
  func.func @transform_6(%arg0: i32) -> (i32, i32) {
    %c0_i32 = arith.constant 0 : i32
    %c0_i32_0 = arith.constant 0 : i32
    return %arg0, %c0_i32 : i32, i32
  }
}

</mosaic_0001>

<sc_bundles>
// kernel: kernel.10.cloned.1.call-start
scs
__scs_entry_jumppad:
0x0: {  	(pc) =	sbr.rel $0x88, $3  }
0x1: {  	(tag) =	ssettag $0x0;
	lr =	simm.s32 $0x1  }
0x2: {  	[smem:$0x3F9A] =	sst lr;
	_ =	strace $0xD0000000  }
0x3: {  	_ = 	snop  }
0x4: {  	_ = 	snop  }
0x5: {  	_ = 	snop  }
0x6: {  	_ = 	snop  }
0x7: {  	_ = 	snop  }
__scs_overlays_trampoline_lowered:
0x8: {  	[smem:$0x3FA9] =	sst s0  }
0x9: {  	[smem:$0x3FAA] =	sst s1  }
0xa: {  	[smem:$0x3FAB] =	sst s2  }
0xb: {  	[smem:$0x3FAC] =	sst s3  }
0xc: {  	[smem:$0x3FAD] =	sst s4  }
0xd: {  	[smem:$0x3FAE] =	sst s5  }
0xe: {  	[smem:$0x3FAF] =	sst s6  }
0xf: {  	[smem:$0x3FB0] =	sst s7  }
0x10: {  	[smem:$0x3FB1] =	sst s8  }
0x11: {  	[smem:$0x3FB2] =	sst s9;
	s0 =	simm.s32 @!p0 $0x0  }
0x12: {  	s1 =	sld [smem:$0x3F98];
	s0 =	simm.s32 @p0 $0x1  }
0x13: {  	[smem:$0x3FB3] =	sst s0;
	s0 =	simm.s32 @!p1 $0x0  }
0x14: {  	s2 =	sld [smem:$0x3F97];
	s0 =	simm.s32 @p1 $0x1  }
0x15: {  	[smem:$0x3FB4] =	sst s0;
	s0 =	simm.s32 @!p2 $0x0  }
0x16: {  	s3 =	sld [smem:$0x3FDB];
	s0 =	simm.s32 @p2 $0x1  }
0x17: {  	s4 =	simm.s32 $0x1BF5;
	[smem:$0x3FB6] =	sst s0  }
0x18: {  	s0 =	sld [smem:$0x3F99];
	_ =	swait.ge [sflag:s4], $0x0  }
0x19: {  	s7 =	sld [smem:$0x3F9A]  }
0x1a: {  	s8 =	sadd.s32 $0xFFFFE003, lr  }
0x1b: {  	s9 =	sadd.s32 $0xFFFFFEF7, lr;
	s5 =	simm.s32 $0xFFFFFFFF;
	p2 =	slt.u32 s8, $0xFFFFF086  }
0x1c: {  	p1 =	slt.u32 s9, $0xF7A;
	s5 =	simm.s32 @!p2 $0x0  }
0x1d: {  	s5 =	simm.s32 @p1 $0x1;
	p0 =	seq.s32 s7, s2  }
0x1e: {  	s7 =	smul.u32 @!p0 $0xF7A, s2;
	p2 =	seq.s32 @!p0 s5, $0x0  }
0x1f: {  	s9 =	smul.u32 $0xF7A, s1;
	s8 =	simm.s32 @!p0 $0x1BF5;
	p2 =	por !p2, p0  }
0x20: {  	[sflag:s8] =	ssyncset.s32 @!p0 $0xFFFFF086;
	s6 =	sadd.s32 @!p0 s3, s7;
	s7 =	simm.s32 @!p0 $0x108  }
0x21: {  	s3 =	sadd.s32 s3, s9;
	s6 =	sadd.s32 @!p0 $0x88, s6;
	s7 =	simm.s32 @p2 $0x1082  }
0x22: {  	[simem:s7], [sflag:s8] =	dma.local @!p0 [hbm:s6], $0xF7A  }
0x23: {  	s9 =	sor.u32 $0xD0000000, s2;
	s6 =	simm.s32 $0x108;
	_ =	swait.ge @!p0 [sflag:s8], $0x0  }
0x24: {  	s3 =	sadd.s32 $0x88, s3;
	s6 =	simm.s32 @!p1 $0x1082;
	[sflag:s4] =	ssyncset.s32 $0xFFFFF086  }
0x25: {  	[simem:s6], [sflag:s4] =	dma.local [hbm:s3], $0xF7A  }
0x26: {  	[smem:$0x3F9A] =	sst s1;
	(tag) =	ssettag s2;
	_ =	strace s9  }
0x27: {  	s1 =	sld [smem:$0x3FAA]  }
0x28: {  	s2 =	sld [smem:$0x3FAB]  }
0x29: {  	s4 =	sld [smem:$0x3FAD]  }
0x2a: {  	p0 =	seq.s32 s5, $0x0;
	s5 =	sld [smem:$0x3FAE]  }
0x2b: {  	s6 =	sld [smem:$0x3FAF]  }
0x2c: {  	s7 =	sld [smem:$0x3FB0]  }
0x2d: {  	s3 =	simm.s32 $0x108;
	s8 =	sld [smem:$0x3FB1]  }
0x2e: {  	s3 =	simm.s32 @!p0 $0x1082;
	s9 =	sld [smem:$0x3FB2]  }
0x2f: {  	lr =	sadd.s32 s0, s3;
	s0 =	sld [smem:$0x3FA9]  }
0x30: {  	s3 =	sld [smem:$0x3FAC]  }
0x31: {  	[smem:$0x3FB5] =	sst s10  }
0x32: {  	s10 =	sld [smem:$0x3FB3];
	_ =	sdelay $0x3  }
0x33: {  	p0 =	seq.s32 s10, $0x1;
	s10 =	sld [smem:$0x3FB5];
	_ =	sdelay $0x3  }
0x34: {  	[smem:$0x3FB5] =	sst s10  }
0x35: {  	s10 =	sld [smem:$0x3FB4];
	_ =	sdelay $0x3  }
0x36: {  	p1 =	seq.s32 s10, $0x1;
	s10 =	sld [smem:$0x3FB5];
	_ =	sdelay $0x3  }
0x37: {  	[smem:$0x3FB5] =	sst s10  }
0x38: {  	s10 =	sld [smem:$0x3FB6]  }
0x39: {  	_ = 	snop;
	(pc) =	sbr.ind lr, $3  }
0x3a: {  	_ = 	snop  }
0x3b: {  	_ = 	snop  }
0x3c: {  	p2 =	seq.s32 s10, $0x1;
	s10 =	sld [smem:$0x3FB5]  }
0x3d: {  	_ =	shalt  }
0x3e: {  	_ =	shalt  }
0x3f: {  	_ =	shalt  }
0x40: {  	_ =	shalt  }
0x41: {  	_ =	shalt  }
0x42: {  	_ =	shalt  }
0x43: {  	_ =	shalt  }
0x44: {  	_ =	shalt  }
0x45: {  	_ =	shalt  }
0x46: {  	_ =	shalt  }
0x47: {  	_ =	shalt  }
0x48: {  	_ =	shalt  }
0x49: {  	_ =	shalt  }
0x4a: {  	_ =	shalt  }
0x4b: {  	_ =	shalt  }
0x4c: {  	_ =	shalt  }
0x4d: {  	_ =	shalt  }
0x4e: {  	_ =	shalt  }
0x4f: {  	_ =	shalt  }
0x50: {  	_ =	shalt  }
0x51: {  	_ =	shalt  }
0x52: {  	_ =	shalt  }
0x53: {  	_ =	shalt  }
0x54: {  	_ =	shalt  }
0x55: {  	_ =	shalt  }
0x56: {  	_ =	shalt  }
0x57: {  	_ =	shalt  }
0x58: {  	_ =	shalt  }
0x59: {  	_ =	shalt  }
0x5a: {  	_ =	shalt  }
0x5b: {  	_ =	shalt  }
0x5c: {  	_ =	shalt  }
0x5d: {  	_ =	shalt  }
0x5e: {  	_ =	shalt  }
0x5f: {  	_ =	shalt  }
0x60: {  	_ =	shalt  }
0x61: {  	_ =	shalt  }
0x62: {  	_ =	shalt  }
0x63: {  	_ =	shalt  }
0x64: {  	_ =	shalt  }
0x65: {  	_ =	shalt  }
0x66: {  	_ =	shalt  }
0x67: {  	_ =	shalt  }
0x68: {  	_ =	shalt  }
0x69: {  	_ =	shalt  }
0x6a: {  	_ =	shalt  }
0x6b: {  	_ =	shalt  }
0x6c: {  	_ =	shalt  }
0x6d: {  	_ =	shalt  }
0x6e: {  	_ =	shalt  }
0x6f: {  	_ =	shalt  }
0x70: {  	_ =	shalt  }
0x71: {  	_ =	shalt  }
0x72: {  	_ =	shalt  }
0x73: {  	_ =	shalt  }
0x74: {  	_ =	shalt  }
0x75: {  	_ =	shalt  }
0x76: {  	_ =	shalt  }
0x77: {  	_ =	shalt  }
0x78: {  	_ =	shalt  }
0x79: {  	_ =	shalt  }
0x7a: {  	_ =	shalt  }
0x7b: {  	_ =	shalt  }
0x7c: {  	_ =	shalt  }
0x7d: {  	_ =	shalt  }
0x7e: {  	_ =	shalt  }
0x7f: {  	_ =	shalt  }
0x80: {  	_ =	shalt  }
0x81: {  	_ =	shalt  }
0x82: {  	_ =	shalt  }
0x83: {  	_ =	shalt  }
0x84: {  	_ =	shalt  }
0x85: {  	_ =	shalt  }
0x86: {  	_ =	shalt  }
0x87: {  	_ =	shalt  }
.Lfunc_end0:
.L_simem_size_0:
called_computation.1_lowered:
.L_overlay_start_0:
0x88: {  	s2 =	sld [smem:$0x3FD9]  }
0x89: {  	s3 =	sld [smem:$0x3FFE];
	_ =	sdelay $0x1  }
0x8a: {  	s1 =	srdreg.scid  }
0x8b: {  	s0 =	sand.u32 $0x1, s1  }
0x8c: {  	s14 =	sshll.u32 s0, $0xA;
	s2 =	sadd.s32 s3, s2  }
0x8d: {  	s2 =	sadd.s32 s2, s14  }
0x8e: {  	[smem:$0x3FC1] =	sst s2  }
0x8f: {  	_ = 	snop  }
0x90: {  	s2 =	sld [smem:$0x3FD0];
	_ =	sdelay $0x2  }
0x91: {  	s15 =	simm.s32 $0xA;
	s4 =	simm.s32 $0x10  }
0x92: {  	[smem:s4], [sflag:s15] =	dma.local [hbm:s2], $0x1  }
0x93: {  	_ =	swait.eq [sflag:s15], $0x1  }
0x94: {  	[sflag:s15] =	ssyncset.done $0x0  }
0x95: {  	[sflag:s15] =	ssyncadd.s32 $0xFFFFFFFF  }
0x96: {  	s16 =	sld [smem:$0x10];
	(tm) =	ssettm $0x1  }
0x97: {  	s17 =	sld [smem:$0x3FFB];
	_ =	sdelay $0x3  }
0x98: {  	_ =	strace s17  }
0x99: {  	s3 =	sld [smem:$0x3FFC];
	_ =	sdelay $0x3  }
0x9a: {  	_ =	strace s3  }
0x9b: {  	s3 =	sld [smem:$0x3FFD];
	_ =	sdelay $0x3  }
0x9c: {  	_ =	strace s3  }
0x9d: {  	_ =	strace $0x8FFFFFFF  }
0x9e: {  	s18 =	sld [smem:$0x3FDB];
	_ =	sdelay $0x1  }
0x9f: {  	s19 =	simm.s32 $_scs_section_size  }
0xa0: {  	s5 =	simm.s32 $_size__tile_overlayer_lowered;
	s6 =	simm.s32 $_tile_overlayer_lowered  }
0xa1: {  	s22 =	simm.s32 $0x1BFF;
	s21 =	sshll.u32 s6, $0x1;
	s3 =	sadd.s32 s19, s18  }
0xa2: {  	s7 =	simm.s32 $0x0;
	s20 =	sshll.u32 s5, $0x1;
	s5 =	sadd.s32 s21, s3  }
0xa3: {  	[timem:s7], [sflag:s22] =	dma.local [hbm:s5], s20  }
0xa4: {  	_ =	swait.ge [sflag:s22], s20  }
0xa5: {  	s4 =	ssub.s32 $0x0, s20;
	[sflag:s22] =	ssyncset.done $0x0  }
0xa6: {  	[sflag:s22] =	ssyncadd.s32 s4;
	_ =	sdelay $0x1  }
0xa7: {  	s23 =	simm.s32 $0x1B8B  }
0xa8: {  	_ =	swait.ge [sflag:s23], $0x1  }
0xa9: {  	[sflag:s23] =	ssyncset.done $0x0  }
0xaa: {  	s25 =	simm.s32 $0x1B8E;
	s24 =	sld [smem:$0x3FFE];
	[sflag:s23] =	ssyncadd.s32 $0xFFFFFFFF  }
0xab: {  	s26 =	simm.s32 $execute0_lowered;
	[smem:$0x3FD2] =	sst s25  }
0xac: {  	s5 =	sshll.u32 s26, $0x1;
	_ =	strace $0x80000049;
	[dreg:$0x1] =	wrdreg $0xFFFFFFFF  }
0xad: {  	s28 =	simm.s32 $_size_execute0_lowered;
	s3 =	sadd.s32 s3, s5;
	[dreg:$0x0] =	wrdreg $0x0  }
0xae: {  	s5 =	sshll.u32 s28, $0x1;
	[dreg:$0x2] =	wrdreg s3  }
0xaf: {  	[dreg:$0x3] =	wrdreg s5  }
0xb0: {  	[dreg:$0x4] =	wrdreg $0xC0  }
0xb1: {  	_ =	task [dreg:s7], $0x5FFFF  }
0xb2: {  	[dreg:$0x1] =	wrdreg $0xFFFFFFFF  }
0xb3: {  	[dreg:$0x0] =	wrdreg $0x60  }
0xb4: {  	[dreg:$0x2] =	wrdreg s16  }
0xb5: {  	[dreg:$0x3] =	wrdreg s24  }
0xb6: {  	[dreg:$0x4] =	wrdreg $0x9  }
0xb7: {  	_ =	task.clear_ibuf [dreg:s7], $0x5FFFF;
	_ =	strace $0x90000049  }
0xb8: {  	s29 =	simm.s32 $0x9;
	_ =	strace $0x8000004B  }
0xb9: {  	_ =	swait.ge [sflag:s29], $0x1  }
0xba: {  	[sflag:s29] =	ssyncadd.s32 $0xFFFFFFFF  }
0xbb: {  	_ =	strace $0x9000004B  }
0xbc: {  	_ =	sfence  }
0xbd: {  	s30 =	sld [smem:$0x0];
	_ =	sdelay $0x2  }
0xbe: {  	s31 =	sshll.u32 s1, $0xD;
	s1 =	sshrl.u32 s1, $0x2  }
0xbf: {  	s3 =	sand.u32 $0x4000, s31;
	s1 =	sadd.s32 s1, s30  }
0xc0: {  	s0 =	sor.u32 s3, s0;
	s1 =	sshll.u32 s1, $0x11  }
0xc1: {  	s0 =	sor.u32 s1, s0  }
0xc2: {  	s0 =	sadd.s32 $0x8F2B, s0  }
0xc3: {  	[sflag:s0] =	ssyncadd.remote.s32 $0x1  }
0xc4: {  	_ =	sfence.sel $0xFFFF  }
0xc5: {  	[dreg:$0x0] =	wrdreg $0xFFFFFFFF;
	(pc) =	sbr.abs _section_cstart, $3  }
0xc6: {  	[dreg:$0x1] =	wrdreg $0xFFFFFFFF  }
0xc7: {  	_ =	task.clear_ibuf [dreg:s7], $0x2FFFF;
	_ =	strace $0x9FFFFFFF  }
0xc8: {  	(tm) =	ssettm $0x7FFFFFFF  }
0xc9: {  	_ =	shalt  }
tec
execute0_lowered:
.L_overlay_start_1:
0x0: {  	(tag) =	ssettag $0x1  }
0x1: {  	s4 =	rddreg [dreg:$0x0]  }
0x2: {  	s5 =	rddreg [dreg:$0x1]  }
0x3: {  	s0 =	rddreg [dreg:$0x2]  }
0x4: {  	s3 =	srdreg.scid;
	s1 =	stileid.u32;
	s2 =	simm.s32 $0x0  }
0x5: {  	s11 =	simm.s32 $0x1;
	s12 =	simm.s32 $0x8080;
	s13 =	simm.s32 $0x0  }
0x6: {  	s6 =	sand.u32 $0x1, s3;
	s31 =	sshll.u32 s1, $0x1;
	[smem:$0x7FF] =	sst s2  }
0x7: {  	s7 =	sor.u32 s6, s31;
	_ =	strace $0x8000004A;
	s6 =	ssub.s32 $0x2, s6  }
0x8: {  	s3 =	sshll.u32 s7, $0xB;
	s9 =	sshll.u32 s7, $0xA;
	s10 =	sshrl.u32 s6, $0x1  }
0x9: {  	s7 =	sshll.u32 s7, $0x4;
	s8 =	sadd.s32 s3, s5;
	s3 =	sadd.s32 $0x11A00, s5  }
0xa: {  	s9 =	sadd.s32 s9, s5;
	s10 =	ssub.s32 s6, s10;
	s4 =	sadd.s32 s4, s7  }
0xb: {  	s5 =	sadd.s32 $0x1A00, s8;
	s6 =	sadd.s32 $0x21A00, s9;
	s7 =	smax.u32 s10, $0x1  }
0xc: {  	s8 =	simm.s32 $0x2;
	s9 =	simm.s32 $0x80;
	s10 =	simm.s32 $0x4080  }
.LBB2_1:
0xd: {  	[tilespmem:s2], [sflag:$0x2] =	stream.linear.gather [hbm4b:s4+s2], $0x80, $0x38;
	[tilespmem:$0xA080] =	vst v63  }
0xe: {  	_ =	swait.ge [sflag:s8], $0x80  }
0xf: {  	[sflag:s8] =	ssyncset.done $0x0  }
0x10: {  	[sflag:s8] =	ssyncadd.s32 $0xFFFFFF80  }
0x11: {  	[tilespmem:s9], [sflag:$0x2] =	stream.linear.gather [hbm4b:s5+s2], $0x4000, $0x38;
	[tilespmem:$0xA080] =	vst v63  }
0x12: {  	_ =	swait.ge [sflag:s8], $0x4000  }
0x13: {  	[sflag:s8] =	ssyncset.done $0x0  }
0x14: {  	[sflag:s8] =	ssyncadd.s32 $0xFFFFC000  }
0x15: {  	[tilespmem:s10], [sflag:$0x1] =	stream.indirect.gather [hbm4b:s3+s9], $0x80, s2, s9, $0xb8;
	[tilespmem:$0xA080] =	vst v63  }
0x16: {  	_ =	swait.ge [sflag:s11], $0x4000  }
0x17: {  	[sflag:s11] =	ssyncset.done $0x0  }
0x18: {  	s14 =	simm.s32 $0x0;
	[sflag:s11] =	ssyncadd.s32 $0xFFFFC000  }
0x19: {  	v0 =	vld [tilespmem:s14+$0x4100]  }
0x1a: {  	v1 =	vld [tilespmem:s14+$0x80]  }
0x1b: {  	v2 =	vld [tilespmem:s14+$0x100]  }
0x1c: {  	v3 =	vld [tilespmem:s14+$0x4080];
	_ =	sdelay $0x4  }
0x1d: {  	v0 =	vmul.f32 v0, v2;
	v1 =	vmul.f32 v3, v1;
	_ =	sdelay $0x1  }
0x1e: {  	v0 =	vadd.f32 v0, v1  }
0x1f: {  	s15 =	simm.s32 $0x80C0  }
0x20: {  	[tilespmem:s15+$0xFFFFFFC0] =	vst v0  }
0x21: {  	v0 =	vld [tilespmem:s14+$0x90]  }
0x22: {  	v1 =	vld [tilespmem:s14+$0x4090]  }
0x23: {  	v2 =	vld [tilespmem:s14+$0x110]  }
0x24: {  	v3 =	vld [tilespmem:s14+$0x4110];
	_ =	sdelay $0x4  }
0x25: {  	v0 =	vmul.f32 v1, v0;
	v1 =	vmul.f32 v3, v2;
	_ =	sdelay $0x1  }
0x26: {  	v0 =	vadd.f32 v1, v0;
	_ =	sdelay $0x1  }
0x27: {  	[tilespmem:s15+$0xFFFFFFD0] =	vst v0  }
0x28: {  	v0 =	vld [tilespmem:s14+$0x120]  }
0x29: {  	v1 =	vld [tilespmem:s14+$0x40A0]  }
0x2a: {  	v2 =	vld [tilespmem:s14+$0xA0]  }
0x2b: {  	v3 =	vld [tilespmem:s14+$0x4120];
	_ =	sdelay $0x4  }
0x2c: {  	v1 =	vmul.f32 v1, v2;
	v0 =	vmul.f32 v3, v0;
	_ =	sdelay $0x1  }
0x2d: {  	v0 =	vadd.f32 v0, v1;
	_ =	sdelay $0x1  }
0x2e: {  	[tilespmem:s15+$0xFFFFFFE0] =	vst v0  }
0x2f: {  	v0 =	vld [tilespmem:s14+$0x4130]  }
0x30: {  	v1 =	vld [tilespmem:s14+$0xB0]  }
0x31: {  	v2 =	vld [tilespmem:s14+$0x40B0]  }
0x32: {  	v3 =	vld [tilespmem:s14+$0x130];
	_ =	sdelay $0x4  }
0x33: {  	v1 =	vmul.f32 v2, v1;
	v0 =	vmul.f32 v0, v3;
	_ =	sdelay $0x1  }
0x34: {  	v0 =	vadd.f32 v0, v1;
	_ =	sdelay $0x1  }
0x35: {  	[tilespmem:s15+$0xFFFFFFF0] =	vst v0  }
0x36: {  	v0 =	vld [tilespmem:s14+$0x40C0]  }
0x37: {  	v1 =	vld [tilespmem:s14+$0x4140]  }
0x38: {  	v2 =	vld [tilespmem:s14+$0xC0]  }
0x39: {  	v3 =	vld [tilespmem:s14+$0x140];
	_ =	sdelay $0x4  }
0x3a: {  	v0 =	vmul.f32 v0, v2;
	v1 =	vmul.f32 v1, v3;
	_ =	sdelay $0x1  }
0x3b: {  	v0 =	vadd.f32 v1, v0;
	_ =	sdelay $0x1  }
0x3c: {  	[tilespmem:s15+$0x0] =	vst v0  }
0x3d: {  	v0 =	vld [tilespmem:s14+$0xD0]  }
0x3e: {  	v1 =	vld [tilespmem:s14+$0x40D0]  }
0x3f: {  	v2 =	vld [tilespmem:s14+$0x4150]  }
0x40: {  	v3 =	vld [tilespmem:s14+$0x150];
	_ =	sdelay $0x4  }
0x41: {  	v0 =	vmul.f32 v1, v0;
	v1 =	vmul.f32 v2, v3;
	_ =	sdelay $0x1  }
0x42: {  	v0 =	vadd.f32 v1, v0;
	_ =	sdelay $0x1  }
0x43: {  	[tilespmem:s15+$0x10] =	vst v0  }
0x44: {  	s17 =	simm.s32 $0x400;
	s16 =	simm.s32 $0x80C0;
	v0 =	vld [tilespmem:s14+$0xE0]  }
.LBB2_2:
0x45: {  	p0 =	sne.s32 s17, $0xFC00  }
0x46: {  	v1 =	vld [tilespmem:s14+$0x40E0];
	s15 =	sadd.s32 $0x80, s15;
	s18 =	smov.u32 s17;
	s17 =	sadd.s32 $0x400, s17  }
0x47: {  	v2 =	vld [tilespmem:s14+$0x160]  }
0x48: {  	v3 =	vld [tilespmem:s14+$0x4160];
	_ =	sdelay $0x2  }
0x49: {  	v0 =	vmul.f32 v1, v0;
	_ =	sdelay $0x1  }
0x4a: {  	v1 =	vmul.f32 v3, v2;
	_ =	sdelay $0x1  }
0x4b: {  	v0 =	vadd.f32 v1, v0;
	_ =	sdelay $0x1  }
0x4c: {  	[tilespmem:s16+$0x20] =	vst v0  }
0x4d: {  	v0 =	vld [tilespmem:s14+$0xF0]  }
0x4e: {  	v1 =	vld [tilespmem:s14+$0x4170]  }
0x4f: {  	v2 =	vld [tilespmem:s14+$0x40F0]  }
0x50: {  	v3 =	vld [tilespmem:s14+$0x170];
	_ =	sdelay $0x3  }
0x51: {  	v0 =	vmul.f32 v2, v0  }
0x52: {  	v1 =	vmul.f32 v1, v3;
	_ =	sdelay $0x1  }
0x53: {  	v0 =	vadd.f32 v1, v0;
	_ =	sdelay $0x1  }
0x54: {  	s14 =	sshra.s32 s18, $0x2;
	[tilespmem:s16+$0x30] =	vst v0;
	s16 =	smov.u32 s15  }
0x55: {  	v0 =	vld [tilespmem:s14+$0x4100]  }
0x56: {  	v1 =	vld [tilespmem:s14+$0x80]  }
0x57: {  	v2 =	vld [tilespmem:s14+$0x100]  }
0x58: {  	v3 =	vld [tilespmem:s14+$0x4080];
	_ =	sdelay $0x3  }
0x59: {  	v0 =	vmul.f32 v0, v2  }
0x5a: {  	v1 =	vmul.f32 v3, v1;
	_ =	sdelay $0x1  }
0x5b: {  	v0 =	vadd.f32 v0, v1;
	_ =	sdelay $0x1  }
0x5c: {  	[tilespmem:s15+$0xFFFFFFC0] =	vst v0  }
0x5d: {  	v0 =	vld [tilespmem:s14+$0x90]  }
0x5e: {  	v1 =	vld [tilespmem:s14+$0x4090]  }
0x5f: {  	v2 =	vld [tilespmem:s14+$0x110]  }
0x60: {  	v3 =	vld [tilespmem:s14+$0x4110];
	_ =	sdelay $0x2  }
0x61: {  	v0 =	vmul.f32 v1, v0;
	_ =	sdelay $0x1  }
0x62: {  	v1 =	vmul.f32 v3, v2;
	_ =	sdelay $0x1  }
0x63: {  	v0 =	vadd.f32 v1, v0;
	_ =	sdelay $0x1  }
0x64: {  	[tilespmem:s15+$0xFFFFFFD0] =	vst v0  }
0x65: {  	v0 =	vld [tilespmem:s14+$0x120]  }
0x66: {  	v1 =	vld [tilespmem:s14+$0x40A0]  }
0x67: {  	v2 =	vld [tilespmem:s14+$0xA0]  }
0x68: {  	v3 =	vld [tilespmem:s14+$0x4120];
	_ =	sdelay $0x3  }
0x69: {  	v1 =	vmul.f32 v1, v2  }
0x6a: {  	v0 =	vmul.f32 v3, v0;
	_ =	sdelay $0x1  }
0x6b: {  	v0 =	vadd.f32 v0, v1;
	_ =	sdelay $0x1  }
0x6c: {  	[tilespmem:s15+$0xFFFFFFE0] =	vst v0  }
0x6d: {  	v0 =	vld [tilespmem:s14+$0x4130]  }
0x6e: {  	v1 =	vld [tilespmem:s14+$0xB0]  }
0x6f: {  	v2 =	vld [tilespmem:s14+$0x40B0]  }
0x70: {  	v3 =	vld [tilespmem:s14+$0x130];
	_ =	sdelay $0x3  }
0x71: {  	v1 =	vmul.f32 v2, v1  }
0x72: {  	v0 =	vmul.f32 v0, v3;
	_ =	sdelay $0x1  }
0x73: {  	v0 =	vadd.f32 v0, v1;
	_ =	sdelay $0x1  }
0x74: {  	[tilespmem:s15+$0xFFFFFFF0] =	vst v0  }
0x75: {  	v0 =	vld [tilespmem:s14+$0x40C0]  }
0x76: {  	v1 =	vld [tilespmem:s14+$0x4140]  }
0x77: {  	v2 =	vld [tilespmem:s14+$0xC0]  }
0x78: {  	v3 =	vld [tilespmem:s14+$0x140];
	_ =	sdelay $0x3  }
0x79: {  	v0 =	vmul.f32 v0, v2  }
0x7a: {  	v1 =	vmul.f32 v1, v3;
	_ =	sdelay $0x1  }
0x7b: {  	v0 =	vadd.f32 v1, v0;
	_ =	sdelay $0x1  }
0x7c: {  	[tilespmem:s15+$0x0] =	vst v0  }
0x7d: {  	v0 =	vld [tilespmem:s14+$0xD0]  }
0x7e: {  	v1 =	vld [tilespmem:s14+$0x40D0]  }
0x7f: {  	v2 =	vld [tilespmem:s14+$0x4150]  }
0x80: {  	v3 =	vld [tilespmem:s14+$0x150];
	_ =	sdelay $0x2  }
0x81: {  	v0 =	vmul.f32 v1, v0;
	_ =	sdelay $0x1  }
0x82: {  	v1 =	vmul.f32 v2, v3  }
.Ltmp0:
0x83: {  	(pc) =	sbr.rel @p0 .LBB2_2-.Ltmp0, $3  }
0x84: {  	v0 =	vadd.f32 v1, v0;
	_ =	sdelay $0x1  }
0x85: {  	[tilespmem:s15+$0x10] =	vst v0  }
0x86: {  	v0 =	vld [tilespmem:s14+$0xE0]  }
0x87: {  	v1 =	vld [tilespmem:s14+$0x40E0]  }
0x88: {  	v2 =	vld [tilespmem:s14+$0x160]  }
0x89: {  	v3 =	vld [tilespmem:s14+$0x4160];
	_ =	sdelay $0x4  }
0x8a: {  	v0 =	vmul.f32 v1, v0;
	v60 =	vmul.f32 v3, v2;
	_ =	sdelay $0x1  }
0x8b: {  	v0 =	vadd.f32 v60, v0;
	_ =	sdelay $0x1  }
0x8c: {  	[tilespmem:s16+$0x20] =	vst v0  }
0x8d: {  	v0 =	vld [tilespmem:s14+$0xF0]  }
0x8e: {  	v61 =	vld [tilespmem:s14+$0x4170]  }
0x8f: {  	v62 =	vld [tilespmem:s14+$0x40F0]  }
0x90: {  	v63 =	vld [tilespmem:s14+$0x170];
	_ =	sdelay $0x4  }
0x91: {  	v0 =	vmul.f32 v62, v0;
	v1 =	vmul.f32 v61, v63;
	_ =	sdelay $0x1  }
0x92: {  	s13 =	sadd.s32 $0x1, s13;
	v0 =	vadd.f32 v1, v0  }
0x93: {  	p0 =	sne.s32 s13, s7  }
.Ltmp1:
0x94: {  	[tilespmem:s16+$0x30] =	vst v0;
	(pc) =	sbr.rel @p0 .LBB2_1-.Ltmp1, $4  }
0x95: {  	[hbm4b:s6+s2] =	stream.linear.scatter [tilespmem:s12], [sflag:$0x2], $0x2000, $0x38;
	[tilespmem:$0xA080] =	vst v63  }
0x96: {  	_ =	swait.ge [sflag:s8], $0x2000  }
0x97: {  	[sflag:s8] =	ssyncset.done $0x0  }
0x98: {  	[sflag:s8] =	ssyncadd.s32 $0xFFFFE000  }
0x99: {  	_ =	sfence.sel $0x180000  }
0x9a: {  	[bflag:$0x0] =	sbarrier.arrive $0xFFFF  }
0x9b: {  	p0 =	sne.s32 s1, $0x0;
	_ =	strace $0x9000004A  }
0x9c: {  	s0 =	sadd.s32 @!p0 $0x100000, s0;
	[bflag:$0x2] =	sbarrier.arrive $0xFFFF  }
0x9d: {  	[sflag:s0] =	ssyncadd.tile.s32 @!p0 $0x1;
	_ =	shalt  }
.Lfunc_end2:
_tile_overlayer_lowered:
.L_overlay_start_2:
0x9e: {  	(tag) =	ssettag $0x2  }
0x9f: {  	s0 =	rddreg [dreg:$0x0];
	s2 =	stileid.u32  }
0xa0: {  	s1 =	rddreg [dreg:$0x1];
	p0 =	sne.s32 s2, $0x0  }
0xa1: {  	s3 =	rddreg [dreg:$0x2];
	[bflag:$0x3] =	sbarrier.arrive $0xFFFF;
	s2 =	simm.s32 @!p0 $0x1C02  }
0xa2: {  	[timem:s3], [sflag:s2] =	dma.local @!p0 [hbm:s0], s1  }
0xa3: {  	s0 =	simm.s32 @!p0 $0x2  }
0xa4: {  	_ =	swait.ge @!p0 [sflag:s0], s1  }
0xa5: {  	s1 =	ssub.s32 @!p0 $0x0, s1;
	[sflag:s0] =	ssyncset.done @!p0 $0x0  }
0xa6: {  	[sflag:s0] =	ssyncadd.s32 @!p0 s1  }
0xa7: {  	[bflag:$0x3] =	sbarrier.arrive $0xFFFF  }
0xa8: {  	_ =	shalt  }

// kernel: kernel.7.cloned.1.call-start
scs
__scs_entry_jumppad:
0x0: {  	(pc) =	sbr.rel $0x88, $3  }
0x1: {  	(tag) =	ssettag $0x0;
	lr =	simm.s32 $0x1  }
0x2: {  	[smem:$0x3F9A] =	sst lr;
	_ =	strace $0xD0000000  }
0x3: {  	_ = 	snop  }
0x4: {  	_ = 	snop  }
0x5: {  	_ = 	snop  }
0x6: {  	_ = 	snop  }
0x7: {  	_ = 	snop  }
__scs_overlays_trampoline_lowered:
0x8: {  	[smem:$0x3FA9] =	sst s0  }
0x9: {  	[smem:$0x3FAA] =	sst s1  }
0xa: {  	[smem:$0x3FAB] =	sst s2  }
0xb: {  	[smem:$0x3FAC] =	sst s3  }
0xc: {  	[smem:$0x3FAD] =	sst s4  }
0xd: {  	[smem:$0x3FAE] =	sst s5  }
0xe: {  	[smem:$0x3FAF] =	sst s6  }
0xf: {  	[smem:$0x3FB0] =	sst s7  }
0x10: {  	[smem:$0x3FB1] =	sst s8  }
0x11: {  	[smem:$0x3FB2] =	sst s9;
	s0 =	simm.s32 @!p0 $0x0  }
0x12: {  	s1 =	sld [smem:$0x3F98];
	s0 =	simm.s32 @p0 $0x1  }
0x13: {  	[smem:$0x3FB3] =	sst s0;
	s0 =	simm.s32 @!p1 $0x0  }
0x14: {  	s2 =	sld [smem:$0x3F97];
	s0 =	simm.s32 @p1 $0x1  }
0x15: {  	[smem:$0x3FB4] =	sst s0;
	s0 =	simm.s32 @!p2 $0x0  }
0x16: {  	s3 =	sld [smem:$0x3FDB];
	s0 =	simm.s32 @p2 $0x1  }
0x17: {  	s4 =	simm.s32 $0x1BF5;
	[smem:$0x3FB6] =	sst s0  }
0x18: {  	s0 =	sld [smem:$0x3F99];
	_ =	swait.ge [sflag:s4], $0x0  }
0x19: {  	s7 =	sld [smem:$0x3F9A]  }
0x1a: {  	s8 =	sadd.s32 $0xFFFFE003, lr  }
0x1b: {  	s9 =	sadd.s32 $0xFFFFFEF7, lr;
	s5 =	simm.s32 $0xFFFFFFFF;
	p2 =	slt.u32 s8, $0xFFFFF086  }
0x1c: {  	p1 =	slt.u32 s9, $0xF7A;
	s5 =	simm.s32 @!p2 $0x0  }
0x1d: {  	s5 =	simm.s32 @p1 $0x1;
	p0 =	seq.s32 s7, s2  }
0x1e: {  	s7 =	smul.u32 @!p0 $0xF7A, s2;
	p2 =	seq.s32 @!p0 s5, $0x0  }
0x1f: {  	s9 =	smul.u32 $0xF7A, s1;
	s8 =	simm.s32 @!p0 $0x1BF5;
	p2 =	por !p2, p0  }
0x20: {  	[sflag:s8] =	ssyncset.s32 @!p0 $0xFFFFF086;
	s6 =	sadd.s32 @!p0 s3, s7;
	s7 =	simm.s32 @!p0 $0x108  }
0x21: {  	s3 =	sadd.s32 s3, s9;
	s6 =	sadd.s32 @!p0 $0x88, s6;
	s7 =	simm.s32 @p2 $0x1082  }
0x22: {  	[simem:s7], [sflag:s8] =	dma.local @!p0 [hbm:s6], $0xF7A  }
0x23: {  	s9 =	sor.u32 $0xD0000000, s2;
	s6 =	simm.s32 $0x108;
	_ =	swait.ge @!p0 [sflag:s8], $0x0  }
0x24: {  	s3 =	sadd.s32 $0x88, s3;
	s6 =	simm.s32 @!p1 $0x1082;
	[sflag:s4] =	ssyncset.s32 $0xFFFFF086  }
0x25: {  	[simem:s6], [sflag:s4] =	dma.local [hbm:s3], $0xF7A  }
0x26: {  	[smem:$0x3F9A] =	sst s1;
	(tag) =	ssettag s2;
	_ =	strace s9  }
0x27: {  	s1 =	sld [smem:$0x3FAA]  }
0x28: {  	s2 =	sld [smem:$0x3FAB]  }
0x29: {  	s4 =	sld [smem:$0x3FAD]  }
0x2a: {  	p0 =	seq.s32 s5, $0x0;
	s5 =	sld [smem:$0x3FAE]  }
0x2b: {  	s6 =	sld [smem:$0x3FAF]  }
0x2c: {  	s7 =	sld [smem:$0x3FB0]  }
0x2d: {  	s3 =	simm.s32 $0x108;
	s8 =	sld [smem:$0x3FB1]  }
0x2e: {  	s3 =	simm.s32 @!p0 $0x1082;
	s9 =	sld [smem:$0x3FB2]  }
0x2f: {  	lr =	sadd.s32 s0, s3;
	s0 =	sld [smem:$0x3FA9]  }
0x30: {  	s3 =	sld [smem:$0x3FAC]  }
0x31: {  	[smem:$0x3FB5] =	sst s10  }
0x32: {  	s10 =	sld [smem:$0x3FB3];
	_ =	sdelay $0x3  }
0x33: {  	p0 =	seq.s32 s10, $0x1;
	s10 =	sld [smem:$0x3FB5];
	_ =	sdelay $0x3  }
0x34: {  	[smem:$0x3FB5] =	sst s10  }
0x35: {  	s10 =	sld [smem:$0x3FB4];
	_ =	sdelay $0x3  }
0x36: {  	p1 =	seq.s32 s10, $0x1;
	s10 =	sld [smem:$0x3FB5];
	_ =	sdelay $0x3  }
0x37: {  	[smem:$0x3FB5] =	sst s10  }
0x38: {  	s10 =	sld [smem:$0x3FB6]  }
0x39: {  	_ = 	snop;
	(pc) =	sbr.ind lr, $3  }
0x3a: {  	_ = 	snop  }
0x3b: {  	_ = 	snop  }
0x3c: {  	p2 =	seq.s32 s10, $0x1;
	s10 =	sld [smem:$0x3FB5]  }
0x3d: {  	_ =	shalt  }
0x3e: {  	_ =	shalt  }
0x3f: {  	_ =	shalt  }
0x40: {  	_ =	shalt  }
0x41: {  	_ =	shalt  }
0x42: {  	_ =	shalt  }
0x43: {  	_ =	shalt  }
0x44: {  	_ =	shalt  }
0x45: {  	_ =	shalt  }
0x46: {  	_ =	shalt  }
0x47: {  	_ =	shalt  }
0x48: {  	_ =	shalt  }
0x49: {  	_ =	shalt  }
0x4a: {  	_ =	shalt  }
0x4b: {  	_ =	shalt  }
0x4c: {  	_ =	shalt  }
0x4d: {  	_ =	shalt  }
0x4e: {  	_ =	shalt  }
0x4f: {  	_ =	shalt  }
0x50: {  	_ =	shalt  }
0x51: {  	_ =	shalt  }
0x52: {  	_ =	shalt  }
0x53: {  	_ =	shalt  }
0x54: {  	_ =	shalt  }
0x55: {  	_ =	shalt  }
0x56: {  	_ =	shalt  }
0x57: {  	_ =	shalt  }
0x58: {  	_ =	shalt  }
0x59: {  	_ =	shalt  }
0x5a: {  	_ =	shalt  }
0x5b: {  	_ =	shalt  }
0x5c: {  	_ =	shalt  }
0x5d: {  	_ =	shalt  }
0x5e: {  	_ =	shalt  }
0x5f: {  	_ =	shalt  }
0x60: {  	_ =	shalt  }
0x61: {  	_ =	shalt  }
0x62: {  	_ =	shalt  }
0x63: {  	_ =	shalt  }
0x64: {  	_ =	shalt  }
0x65: {  	_ =	shalt  }
0x66: {  	_ =	shalt  }
0x67: {  	_ =	shalt  }
0x68: {  	_ =	shalt  }
0x69: {  	_ =	shalt  }
0x6a: {  	_ =	shalt  }
0x6b: {  	_ =	shalt  }
0x6c: {  	_ =	shalt  }
0x6d: {  	_ =	shalt  }
0x6e: {  	_ =	shalt  }
0x6f: {  	_ =	shalt  }
0x70: {  	_ =	shalt  }
0x71: {  	_ =	shalt  }
0x72: {  	_ =	shalt  }
0x73: {  	_ =	shalt  }
0x74: {  	_ =	shalt  }
0x75: {  	_ =	shalt  }
0x76: {  	_ =	shalt  }
0x77: {  	_ =	shalt  }
0x78: {  	_ =	shalt  }
0x79: {  	_ =	shalt  }
0x7a: {  	_ =	shalt  }
0x7b: {  	_ =	shalt  }
0x7c: {  	_ =	shalt  }
0x7d: {  	_ =	shalt  }
0x7e: {  	_ =	shalt  }
0x7f: {  	_ =	shalt  }
0x80: {  	_ =	shalt  }
0x81: {  	_ =	shalt  }
0x82: {  	_ =	shalt  }
0x83: {  	_ =	shalt  }
0x84: {  	_ =	shalt  }
0x85: {  	_ =	shalt  }
0x86: {  	_ =	shalt  }
0x87: {  	_ =	shalt  }
.Lfunc_end0:
.L_simem_size_0:
called_computation_lowered:
.L_overlay_start_0:
0x88: {  	s2 =	sld [smem:$0x3FD9]  }
0x89: {  	s3 =	sld [smem:$0x3FFE];
	_ =	sdelay $0x1  }
0x8a: {  	s1 =	srdreg.scid  }
0x8b: {  	s0 =	sand.u32 $0x1, s1  }
0x8c: {  	s14 =	sshll.u32 s0, $0xA;
	s2 =	sadd.s32 s3, s2  }
0x8d: {  	s2 =	sadd.s32 s2, s14  }
0x8e: {  	[smem:$0x3FC1] =	sst s2  }
0x8f: {  	_ = 	snop  }
0x90: {  	s2 =	sld [smem:$0x3FD0];
	_ =	sdelay $0x2  }
0x91: {  	s4 =	simm.s32 $0xA;
	s5 =	simm.s32 $0x10;
	s15 =	sld [smem:$0x3FC9]  }
0x92: {  	[smem:s5], [sflag:s4] =	dma.local [hbm:s2], $0x1  }
0x93: {  	_ =	swait.eq [sflag:s4], $0x1  }
0x94: {  	[sflag:s4] =	ssyncset.done $0x0  }
0x95: {  	s16 =	sld [smem:$0x11];
	[sflag:s4] =	ssyncadd.s32 $0xFFFFFFFF  }
0x96: {  	s17 =	sld [smem:$0x12];
	(tm) =	ssettm $0x1  }
0x97: {  	s18 =	sld [smem:$0x3FFB];
	_ =	sdelay $0x3  }
0x98: {  	_ =	strace s18  }
0x99: {  	s5 =	sld [smem:$0x3FFC];
	_ =	sdelay $0x3  }
0x9a: {  	_ =	strace s5  }
0x9b: {  	s5 =	sld [smem:$0x3FFD];
	_ =	sdelay $0x3  }
0x9c: {  	_ =	strace s5  }
0x9d: {  	_ =	strace $0x8FFFFFFF  }
0x9e: {  	s19 =	sld [smem:$0x3FDB];
	_ =	sdelay $0x1  }
0x9f: {  	s6 =	simm.s32 $_scs_section_size  }
0xa0: {  	s7 =	simm.s32 $_size__tile_overlayer_lowered;
	s8 =	simm.s32 $_tile_overlayer_lowered  }
0xa1: {  	s22 =	simm.s32 $0x1BFF;
	s21 =	sshll.u32 s8, $0x1;
	s5 =	sadd.s32 s6, s19  }
0xa2: {  	s9 =	simm.s32 $0x0;
	s20 =	sshll.u32 s7, $0x1;
	s7 =	sadd.s32 s21, s5  }
0xa3: {  	[timem:s9], [sflag:s22] =	dma.local [hbm:s7], s20  }
0xa4: {  	_ =	swait.ge [sflag:s22], s20  }
0xa5: {  	s6 =	ssub.s32 $0x0, s20;
	[sflag:s22] =	ssyncset.done $0x0  }
0xa6: {  	[sflag:s22] =	ssyncadd.s32 s6;
	_ =	sdelay $0x1  }
0xa7: {  	s23 =	simm.s32 $0x1B8B  }
0xa8: {  	_ =	swait.ge [sflag:s23], $0x1  }
0xa9: {  	[sflag:s23] =	ssyncset.done $0x0  }
0xaa: {  	s25 =	simm.s32 $0x1B8E;
	s24 =	sld [smem:$0x3FFE];
	[sflag:s23] =	ssyncadd.s32 $0xFFFFFFFF  }
0xab: {  	s26 =	simm.s32 $execute0_lowered;
	[smem:$0x3FD2] =	sst s25  }
0xac: {  	s7 =	sshll.u32 s26, $0x1;
	_ =	strace $0x80000046;
	[dreg:$0x1] =	wrdreg $0xFFFFFFFF  }
0xad: {  	s28 =	simm.s32 $_size_execute0_lowered;
	s5 =	sadd.s32 s5, s7;
	[dreg:$0x0] =	wrdreg $0x0  }
0xae: {  	s7 =	sshll.u32 s28, $0x1;
	[dreg:$0x2] =	wrdreg s5  }
0xaf: {  	[dreg:$0x3] =	wrdreg s7  }
0xb0: {  	[dreg:$0x4] =	wrdreg $0xC0  }
0xb1: {  	_ =	task [dreg:s9], $0x5FFFF  }
0xb2: {  	[dreg:$0x1] =	wrdreg $0xFFFFFFFF  }
0xb3: {  	[dreg:$0x0] =	wrdreg $0x60  }
0xb4: {  	[dreg:$0x2] =	wrdreg s17  }
0xb5: {  	[dreg:$0x3] =	wrdreg s16  }
0xb6: {  	[dreg:$0x4] =	wrdreg s15  }
0xb7: {  	[dreg:$0x5] =	wrdreg s24  }
0xb8: {  	[dreg:$0x6] =	wrdreg $0x9  }
0xb9: {  	_ =	task.clear_ibuf [dreg:s9], $0x7FFFF;
	_ =	strace $0x90000046  }
0xba: {  	s29 =	simm.s32 $0x9;
	_ =	strace $0x80000048  }
0xbb: {  	_ =	swait.ge [sflag:s29], $0x1  }
0xbc: {  	[sflag:s29] =	ssyncadd.s32 $0xFFFFFFFF  }
0xbd: {  	_ =	strace $0x90000048  }
0xbe: {  	_ =	sfence  }
0xbf: {  	s30 =	sld [smem:$0x0];
	_ =	sdelay $0x2  }
0xc0: {  	s31 =	sshll.u32 s1, $0xD;
	s1 =	sshrl.u32 s1, $0x2  }
0xc1: {  	s3 =	sand.u32 $0x4000, s31;
	s1 =	sadd.s32 s1, s30  }
0xc2: {  	s0 =	sor.u32 s3, s0;
	s1 =	sshll.u32 s1, $0x11  }
0xc3: {  	s0 =	sor.u32 s1, s0  }
0xc4: {  	s0 =	sadd.s32 $0x8F2B, s0  }
0xc5: {  	[sflag:s0] =	ssyncadd.remote.s32 $0x1  }
0xc6: {  	_ =	sfence.sel $0xFFFF  }
0xc7: {  	[dreg:$0x0] =	wrdreg $0xFFFFFFFF;
	(pc) =	sbr.abs _section_cstart, $3  }
0xc8: {  	[dreg:$0x1] =	wrdreg $0xFFFFFFFF  }
0xc9: {  	_ =	task.clear_ibuf [dreg:s9], $0x2FFFF;
	_ =	strace $0x9FFFFFFF  }
0xca: {  	(tm) =	ssettm $0x7FFFFFFF  }
0xcb: {  	_ =	shalt  }
tec
execute0_lowered:
.L_overlay_start_1:
0x0: {  	(tag) =	ssettag $0x1  }
0x1: {  	s0 =	rddreg [dreg:$0x0]  }
0x2: {  	s1 =	rddreg [dreg:$0x1]  }
0x3: {  	s4 =	rddreg [dreg:$0x2]  }
0x4: {  	s5 =	rddreg [dreg:$0x3];
	s3 =	srdreg.scid  }
0x5: {  	s2 =	simm.s32 $0x0;
	s7 =	stileid.u32;
	s26 =	simm.s32 $0x80  }
0x6: {  	s11 =	simm.s32 $0x1900;
	s12 =	simm.s32 $0x2100;
	s13 =	simm.s32 $0x2900  }
0x7: {  	s14 =	simm.s32 $0x3100;
	s15 =	simm.s32 $0x3900;
	s16 =	simm.s32 $0x4100  }
0x8: {  	s17 =	simm.s32 $0x4900;
	s18 =	simm.s32 $0x5100;
	s19 =	simm.s32 $0x5900  }
0x9: {  	s20 =	simm.s32 $0x6100;
	s28 =	simm.s32 $0x9900;
	s29 =	simm.s32 $0xA100  }
0xa: {  	s30 =	simm.s32 $0xA900;
	s31 =	simm.s32 $0xB100;
	s6 =	sand.u32 $0x1, s3  }
0xb: {  	[smem:$0x7FF] =	sst s2;
	s21 =	sshll.u32 s7, $0x4;
	s3 =	sadd.s32 $0x11A00, s5  }
0xc: {  	s22 =	sshll.u32 s6, $0x3;
	_ =	strace $0x80000047;
	s6 =	ssub.s32 $0x2, s6  }
0xd: {  	[dreg:$0x8] =	wrdreg s26;
	s26 =	simm.s32 $0x9100;
	s7 =	sor.u32 s22, s21  }
0xe: {  	s24 =	sshrl.u32 s6, $0x1;
	s21 =	simm.s32 $0x6900;
	s22 =	simm.s32 $0x7100  }
0xf: {  	s0 =	sadd.s32 s0, s7;
	s8 =	smul.u32 $0x300, s7;
	s23 =	sadd.s32 s1, s7  }
0x10: {  	s1 =	ssub.s32 s6, s24;
	s7 =	simm.s32 $0x2;
	[dreg:$0x5] =	wrdreg s0  }
0x11: {  	s24 =	simm.s32 $0x8100;
	[dreg:$0x6] =	wrdreg s23;
	s6 =	smax.u32 s1, $0x1  }
0x12: {  	v2 =	vlaneseq.u32;
	s23 =	simm.s32 $0x7900;
	s0 =	simm.s32 $0xB900;
	s1 =	simm.s32 $0x1  }
0x13: {  	vm0 =	vmmov $0xffff;
	v1 =	vshrl.u32 v2, $0x3;
	s25 =	sadd.s32 s4, s8;
	s4 =	sadd.s32 $0x11B00, s5;
	s5 =	sadd.s32 $0x11C00, s5  }
0x14: {  	v0 =	vand.u32 $0x7, v2;
	v2 =	vor.u32 $0x8, v2;
	v1 =	vmul.u32 $0x8, v1;
	s8 =	simm.s32 $0x100;
	[dreg:$0x7] =	wrdreg s25;
	s25 =	simm.s32 $0x8900  }
.LBB2_1:
0x15: {  	s9 =	rddreg [dreg:$0x5]  }
0x16: {  	[tilespmem:s2], [sflag:$0x2] =	stream.linear.gather [hbm4b:s9+s2], $0x40, $0x38;
	[tilespmem:$0xC100] =	vst v63  }
0x17: {  	_ =	swait.ge [sflag:s7], $0x40  }
0x18: {  	s9 =	rddreg [dreg:$0x6];
	[sflag:s7] =	ssyncset.done $0x0  }
0x19: {  	s10 =	rddreg [dreg:$0x8];
	[sflag:s7] =	ssyncadd.s32 $0xFFFFFFC0  }
0x1a: {  	[tilespmem:s10], [sflag:$0x2] =	stream.linear.gather [hbm4b:s9+s2], $0x40, $0x38;
	[tilespmem:$0xC100] =	vst v63  }
0x1b: {  	_ =	swait.ge [sflag:s7], $0x40  }
0x1c: {  	[sflag:s7] =	ssyncset.done $0x0  }
0x1d: {  	s10 =	rddreg [dreg:$0x7];
	[sflag:s7] =	ssyncadd.s32 $0xFFFFFFC0  }
0x1e: {  	[tilespmem:s8], [sflag:$0x2] =	stream.linear.gather [hbm4b:s10+s2], $0xC000, $0x38;
	[tilespmem:$0xC100] =	vst v63  }
0x1f: {  	_ =	swait.ge [sflag:s7], $0xC000  }
0x20: {  	[sflag:s7] =	ssyncset.done $0x0  }
0x21: {  	[sflag:s7] =	ssyncadd.s32 $0xFFFF4000  }
0x22: {  	v3 =	vld [tilespmem:$0x0];
	_ =	sdelay $0x4  }
0x23: {  	v4 =	vshrl.u32 v3, $0x3  }
0x24: {  	v4 =	vmul.u32 $0x30, v4  }
0x25: {  	v3 =	vand.u32 $0x7, v3  }
0x26: {  	v3 =	vor.u32 v3, v4  }
0x27: {  	v4 =	vperm.xlane v3, v0;
	_ =	sdelay $0x1  }
0x28: {  	v4 =	vadd.s32 v1, v4;
	_ =	sdelay $0x3  }
0x29: {  	v3 =	vperm.xlane v3, v2  }
0x2a: {  	[hbm4b:s3+s2] =	stream.indirect_vreg.scatter [tilespmem:s8], [sflag:$0x1], $0x80, v4, vm0, $0xb8;
	[tilespmem:$0xC100] =	vst v63  }
0x2b: {  	s9 =	simm.s32 $0x900;
	v3 =	vadd.s32 v1, v3  }
0x2c: {  	[hbm4b:s4+s2] =	stream.indirect_vreg.scatter [tilespmem:s9], [sflag:$0x1], $0x80, v4, vm0, $0xb8;
	[tilespmem:$0xC100] =	vst v63  }
0x2d: {  	s10 =	simm.s32 $0x1100  }
0x2e: {  	[hbm4b:s5+s2] =	stream.indirect_vreg.scatter [tilespmem:s10], [sflag:$0x1], $0x80, v4, vm0, $0xb8;
	[tilespmem:$0xC100] =	vst v63  }
0x2f: {  	_ = 	snop  }
0x30: {  	[hbm4b:s3+s2] =	stream.indirect_vreg.scatter [tilespmem:s11], [sflag:$0x1], $0x80, v3, vm0, $0xb8;
	[tilespmem:$0xC100] =	vst v63  }
0x31: {  	_ = 	snop  }
0x32: {  	[hbm4b:s4+s2] =	stream.indirect_vreg.scatter [tilespmem:s12], [sflag:$0x1], $0x80, v3, vm0, $0xb8;
	[tilespmem:$0xC100] =	vst v63  }
0x33: {  	_ = 	snop  }
0x34: {  	[hbm4b:s5+s2] =	stream.indirect_vreg.scatter [tilespmem:s13], [sflag:$0x1], $0x80, v3, vm0, $0xb8;
	[tilespmem:$0xC100] =	vst v63  }
0x35: {  	v3 =	vld [tilespmem:$0x10];
	_ =	sdelay $0x4  }
0x36: {  	v57 =	vshrl.u32 v3, $0x3  }
0x37: {  	v4 =	vmul.u32 $0x30, v57  }
0x38: {  	v3 =	vand.u32 $0x7, v3  }
0x39: {  	v3 =	vor.u32 v3, v4  }
0x3a: {  	v4 =	vperm.xlane v3, v0;
	_ =	sdelay $0x1  }
0x3b: {  	v4 =	vadd.s32 v1, v4;
	_ =	sdelay $0x3  }
0x3c: {  	v3 =	vperm.xlane v3, v2  }
0x3d: {  	[hbm4b:s3+s2] =	stream.indirect_vreg.scatter [tilespmem:s14], [sflag:$0x1], $0x80, v4, vm0, $0xb8;
	[tilespmem:$0xC100] =	vst v63  }
0x3e: {  	v3 =	vadd.s32 v1, v3  }
0x3f: {  	[hbm4b:s4+s2] =	stream.indirect_vreg.scatter [tilespmem:s15], [sflag:$0x1], $0x80, v4, vm0, $0xb8;
	[tilespmem:$0xC100] =	vst v63  }
0x40: {  	_ = 	snop  }
0x41: {  	[hbm4b:s5+s2] =	stream.indirect_vreg.scatter [tilespmem:s16], [sflag:$0x1], $0x80, v4, vm0, $0xb8;
	[tilespmem:$0xC100] =	vst v63  }
0x42: {  	_ = 	snop  }
0x43: {  	[hbm4b:s3+s2] =	stream.indirect_vreg.scatter [tilespmem:s17], [sflag:$0x1], $0x80, v3, vm0, $0xb8;
	[tilespmem:$0xC100] =	vst v63  }
0x44: {  	_ = 	snop  }
0x45: {  	[hbm4b:s4+s2] =	stream.indirect_vreg.scatter [tilespmem:s18], [sflag:$0x1], $0x80, v3, vm0, $0xb8;
	[tilespmem:$0xC100] =	vst v63  }
0x46: {  	_ = 	snop  }
0x47: {  	[hbm4b:s5+s2] =	stream.indirect_vreg.scatter [tilespmem:s19], [sflag:$0x1], $0x80, v3, vm0, $0xb8;
	[tilespmem:$0xC100] =	vst v63  }
0x48: {  	v3 =	vld [tilespmem:$0x20];
	_ =	sdelay $0x4  }
0x49: {  	v58 =	vshrl.u32 v3, $0x3  }
0x4a: {  	v4 =	vmul.u32 $0x30, v58  }
0x4b: {  	v3 =	vand.u32 $0x7, v3  }
0x4c: {  	v3 =	vor.u32 v3, v4  }
0x4d: {  	v4 =	vperm.xlane v3, v0;
	_ =	sdelay $0x1  }
0x4e: {  	v4 =	vadd.s32 v1, v4;
	_ =	sdelay $0x3  }
0x4f: {  	v3 =	vperm.xlane v3, v2  }
0x50: {  	[hbm4b:s3+s2] =	stream.indirect_vreg.scatter [tilespmem:s20], [sflag:$0x1], $0x80, v4, vm0, $0xb8;
	[tilespmem:$0xC100] =	vst v63  }
0x51: {  	v3 =	vadd.s32 v1, v3  }
0x52: {  	[hbm4b:s4+s2] =	stream.indirect_vreg.scatter [tilespmem:s21], [sflag:$0x1], $0x80, v4, vm0, $0xb8;
	[tilespmem:$0xC100] =	vst v63  }
0x53: {  	_ = 	snop  }
0x54: {  	[hbm4b:s5+s2] =	stream.indirect_vreg.scatter [tilespmem:s22], [sflag:$0x1], $0x80, v4, vm0, $0xb8;
	[tilespmem:$0xC100] =	vst v63  }
0x55: {  	_ = 	snop  }
0x56: {  	[hbm4b:s3+s2] =	stream.indirect_vreg.scatter [tilespmem:s23], [sflag:$0x1], $0x80, v3, vm0, $0xb8;
	[tilespmem:$0xC100] =	vst v63  }
0x57: {  	_ = 	snop  }
0x58: {  	[hbm4b:s4+s2] =	stream.indirect_vreg.scatter [tilespmem:s24], [sflag:$0x1], $0x80, v3, vm0, $0xb8;
	[tilespmem:$0xC100] =	vst v63  }
0x59: {  	_ = 	snop  }
0x5a: {  	[hbm4b:s5+s2] =	stream.indirect_vreg.scatter [tilespmem:s25], [sflag:$0x1], $0x80, v3, vm0, $0xb8;
	[tilespmem:$0xC100] =	vst v63  }
0x5b: {  	v3 =	vld [tilespmem:$0x30];
	_ =	sdelay $0x4  }
0x5c: {  	v59 =	vshrl.u32 v3, $0x3  }
0x5d: {  	v4 =	vmul.u32 $0x30, v59  }
0x5e: {  	v3 =	vand.u32 $0x7, v3  }
0x5f: {  	v3 =	vor.u32 v3, v4  }
0x60: {  	v4 =	vperm.xlane v3, v0;
	_ =	sdelay $0x1  }
0x61: {  	v4 =	vadd.s32 v1, v4;
	_ =	sdelay $0x3  }
0x62: {  	v3 =	vperm.xlane v3, v2  }
0x63: {  	[hbm4b:s3+s2] =	stream.indirect_vreg.scatter [tilespmem:s26], [sflag:$0x1], $0x80, v4, vm0, $0xb8;
	[tilespmem:$0xC100] =	vst v63  }
0x64: {  	v3 =	vadd.s32 v1, v3  }
0x65: {  	[hbm4b:s4+s2] =	stream.indirect_vreg.scatter [tilespmem:s28], [sflag:$0x1], $0x80, v4, vm0, $0xb8;
	[tilespmem:$0xC100] =	vst v63  }
0x66: {  	_ = 	snop  }
0x67: {  	[hbm4b:s5+s2] =	stream.indirect_vreg.scatter [tilespmem:s29], [sflag:$0x1], $0x80, v4, vm0, $0xb8;
	[tilespmem:$0xC100] =	vst v63  }
0x68: {  	_ = 	snop  }
0x69: {  	[hbm4b:s3+s2] =	stream.indirect_vreg.scatter [tilespmem:s30], [sflag:$0x1], $0x80, v3, vm0, $0xb8;
	[tilespmem:$0xC100] =	vst v63  }
0x6a: {  	_ = 	snop  }
0x6b: {  	[hbm4b:s4+s2] =	stream.indirect_vreg.scatter [tilespmem:s31], [sflag:$0x1], $0x80, v3, vm0, $0xb8;
	[tilespmem:$0xC100] =	vst v63  }
0x6c: {  	_ = 	snop  }
0x6d: {  	[hbm4b:s5+s2] =	stream.indirect_vreg.scatter [tilespmem:s0], [sflag:$0x1], $0x80, v3, vm0, $0xb8;
	[tilespmem:$0xC100] =	vst v63  }
0x6e: {  	_ =	swait.ge [sflag:s1], $0xC000  }
0x6f: {  	[sflag:s1] =	ssyncset.done $0x0  }
0x70: {  	[sflag:s1] =	ssyncadd.s32 $0xFFFF4000  }
0x71: {  	v3 =	vld [tilespmem:$0x80];
	_ =	sdelay $0x4  }
0x72: {  	v60 =	vshrl.u32 v3, $0x3  }
0x73: {  	v4 =	vmul.u32 $0x30, v60  }
0x74: {  	v3 =	vand.u32 $0x7, v3  }
0x75: {  	v3 =	vor.u32 v3, v4  }
0x76: {  	v4 =	vperm.xlane v3, v0;
	_ =	sdelay $0x1  }
0x77: {  	v4 =	vadd.s32 v1, v4;
	_ =	sdelay $0x3  }
0x78: {  	v3 =	vperm.xlane v3, v2  }
0x79: {  	[hbm4b:s3+s2] =	stream.indirect_vreg.scatter [tilespmem:s8], [sflag:$0x1], $0x80, v4, vm0, $0xb8;
	[tilespmem:$0xC100] =	vst v63  }
0x7a: {  	v3 =	vadd.s32 v1, v3  }
0x7b: {  	[hbm4b:s4+s2] =	stream.indirect_vreg.scatter [tilespmem:s9], [sflag:$0x1], $0x80, v4, vm0, $0xb8;
	[tilespmem:$0xC100] =	vst v63  }
0x7c: {  	_ = 	snop  }
0x7d: {  	[hbm4b:s5+s2] =	stream.indirect_vreg.scatter [tilespmem:s10], [sflag:$0x1], $0x80, v4, vm0, $0xb8;
	[tilespmem:$0xC100] =	vst v63  }
0x7e: {  	_ = 	snop  }
0x7f: {  	[hbm4b:s3+s2] =	stream.indirect_vreg.scatter [tilespmem:s11], [sflag:$0x1], $0x80, v3, vm0, $0xb8;
	[tilespmem:$0xC100] =	vst v63  }
0x80: {  	_ = 	snop  }
0x81: {  	[hbm4b:s4+s2] =	stream.indirect_vreg.scatter [tilespmem:s12], [sflag:$0x1], $0x80, v3, vm0, $0xb8;
	[tilespmem:$0xC100] =	vst v63  }
0x82: {  	_ = 	snop  }
0x83: {  	[hbm4b:s5+s2] =	stream.indirect_vreg.scatter [tilespmem:s13], [sflag:$0x1], $0x80, v3, vm0, $0xb8;
	[tilespmem:$0xC100] =	vst v63  }
0x84: {  	v3 =	vld [tilespmem:$0x90];
	_ =	sdelay $0x4  }
0x85: {  	v61 =	vshrl.u32 v3, $0x3  }
0x86: {  	v4 =	vmul.u32 $0x30, v61  }
0x87: {  	v3 =	vand.u32 $0x7, v3  }
0x88: {  	v3 =	vor.u32 v3, v4  }
0x89: {  	v4 =	vperm.xlane v3, v0;
	_ =	sdelay $0x1  }
0x8a: {  	v4 =	vadd.s32 v1, v4;
	_ =	sdelay $0x3  }
0x8b: {  	v3 =	vperm.xlane v3, v2  }
0x8c: {  	[hbm4b:s3+s2] =	stream.indirect_vreg.scatter [tilespmem:s14], [sflag:$0x1], $0x80, v4, vm0, $0xb8;
	[tilespmem:$0xC100] =	vst v63  }
0x8d: {  	v3 =	vadd.s32 v1, v3  }
0x8e: {  	[hbm4b:s4+s2] =	stream.indirect_vreg.scatter [tilespmem:s15], [sflag:$0x1], $0x80, v4, vm0, $0xb8;
	[tilespmem:$0xC100] =	vst v63  }
0x8f: {  	_ = 	snop  }
0x90: {  	[hbm4b:s5+s2] =	stream.indirect_vreg.scatter [tilespmem:s16], [sflag:$0x1], $0x80, v4, vm0, $0xb8;
	[tilespmem:$0xC100] =	vst v63  }
0x91: {  	_ = 	snop  }
0x92: {  	[hbm4b:s3+s2] =	stream.indirect_vreg.scatter [tilespmem:s17], [sflag:$0x1], $0x80, v3, vm0, $0xb8;
	[tilespmem:$0xC100] =	vst v63  }
0x93: {  	_ = 	snop  }
0x94: {  	[hbm4b:s4+s2] =	stream.indirect_vreg.scatter [tilespmem:s18], [sflag:$0x1], $0x80, v3, vm0, $0xb8;
	[tilespmem:$0xC100] =	vst v63  }
0x95: {  	_ = 	snop  }
0x96: {  	[hbm4b:s5+s2] =	stream.indirect_vreg.scatter [tilespmem:s19], [sflag:$0x1], $0x80, v3, vm0, $0xb8;
	[tilespmem:$0xC100] =	vst v63  }
0x97: {  	v3 =	vld [tilespmem:$0xA0];
	_ =	sdelay $0x4  }
0x98: {  	v62 =	vshrl.u32 v3, $0x3  }
0x99: {  	v4 =	vmul.u32 $0x30, v62  }
0x9a: {  	v3 =	vand.u32 $0x7, v3  }
0x9b: {  	v3 =	vor.u32 v3, v4  }
0x9c: {  	v4 =	vperm.xlane v3, v0;
	_ =	sdelay $0x1  }
0x9d: {  	v4 =	vadd.s32 v1, v4;
	_ =	sdelay $0x3  }
0x9e: {  	v3 =	vperm.xlane v3, v2  }
0x9f: {  	[hbm4b:s3+s2] =	stream.indirect_vreg.scatter [tilespmem:s20], [sflag:$0x1], $0x80, v4, vm0, $0xb8;
	[tilespmem:$0xC100] =	vst v63  }
0xa0: {  	v3 =	vadd.s32 v1, v3  }
0xa1: {  	[hbm4b:s4+s2] =	stream.indirect_vreg.scatter [tilespmem:s21], [sflag:$0x1], $0x80, v4, vm0, $0xb8;
	[tilespmem:$0xC100] =	vst v63  }
0xa2: {  	_ = 	snop  }
0xa3: {  	[hbm4b:s5+s2] =	stream.indirect_vreg.scatter [tilespmem:s22], [sflag:$0x1], $0x80, v4, vm0, $0xb8;
	[tilespmem:$0xC100] =	vst v63  }
0xa4: {  	_ = 	snop  }
0xa5: {  	[hbm4b:s3+s2] =	stream.indirect_vreg.scatter [tilespmem:s23], [sflag:$0x1], $0x80, v3, vm0, $0xb8;
	[tilespmem:$0xC100] =	vst v63  }
0xa6: {  	_ = 	snop  }
0xa7: {  	[hbm4b:s4+s2] =	stream.indirect_vreg.scatter [tilespmem:s24], [sflag:$0x1], $0x80, v3, vm0, $0xb8;
	[tilespmem:$0xC100] =	vst v63  }
0xa8: {  	_ = 	snop  }
0xa9: {  	[hbm4b:s5+s2] =	stream.indirect_vreg.scatter [tilespmem:s25], [sflag:$0x1], $0x80, v3, vm0, $0xb8;
	[tilespmem:$0xC100] =	vst v63  }
0xaa: {  	v3 =	vld [tilespmem:$0xB0];
	_ =	sdelay $0x4  }
0xab: {  	v63 =	vshrl.u32 v3, $0x3  }
0xac: {  	v4 =	vmul.u32 $0x30, v63  }
0xad: {  	v3 =	vand.u32 $0x7, v3  }
0xae: {  	v3 =	vor.u32 v3, v4  }
0xaf: {  	v4 =	vperm.xlane v3, v0;
	_ =	sdelay $0x1  }
0xb0: {  	v4 =	vadd.s32 v1, v4;
	_ =	sdelay $0x3  }
0xb1: {  	v3 =	vperm.xlane v3, v2  }
0xb2: {  	[hbm4b:s3+s2] =	stream.indirect_vreg.scatter [tilespmem:s26], [sflag:$0x1], $0x80, v4, vm0, $0xb8;
	[tilespmem:$0xC100] =	vst v63  }
0xb3: {  	v3 =	vadd.s32 v1, v3  }
0xb4: {  	[hbm4b:s4+s2] =	stream.indirect_vreg.scatter [tilespmem:s28], [sflag:$0x1], $0x80, v4, vm0, $0xb8;
	[tilespmem:$0xC100] =	vst v63  }
0xb5: {  	_ = 	snop  }
0xb6: {  	[hbm4b:s5+s2] =	stream.indirect_vreg.scatter [tilespmem:s29], [sflag:$0x1], $0x80, v4, vm0, $0xb8;
	[tilespmem:$0xC100] =	vst v63  }
0xb7: {  	_ = 	snop  }
0xb8: {  	[hbm4b:s3+s2] =	stream.indirect_vreg.scatter [tilespmem:s30], [sflag:$0x1], $0x80, v3, vm0, $0xb8;
	[tilespmem:$0xC100] =	vst v63  }
0xb9: {  	p0 =	sne.s32 s6, $0x1  }
0xba: {  	[hbm4b:s4+s2] =	stream.indirect_vreg.scatter [tilespmem:s31], [sflag:$0x1], $0x80, v3, vm0, $0xb8;
	[tilespmem:$0xC100] =	vst v63  }
.Ltmp0:
0xbb: {  	_ = 	snop;
	(pc) =	sbr.rel @p0 .LBB2_1-.Ltmp0, $4  }
0xbc: {  	[hbm4b:s5+s2] =	stream.indirect_vreg.scatter [tilespmem:s0], [sflag:$0x1], $0x80, v3, vm0, $0xb8;
	[tilespmem:$0xC100] =	vst v63  }
0xbd: {  	_ =	swait.ge [sflag:s1], $0xC000  }
0xbe: {  	[sflag:s1] =	ssyncset.done $0x0  }
0xbf: {  	s6 =	sadd.s32 $0xFFFFFFFF, s6;
	[sflag:s1] =	ssyncadd.s32 $0xFFFF4000  }
0xc0: {  	_ =	sfence.sel $0x180000  }
0xc1: {  	[bflag:$0x0] =	sbarrier.arrive $0xFFFF  }
0xc2: {  	_ =	strace $0x90000047  }
0xc3: {  	s0 =	stileid.u32;
	[bflag:$0x2] =	sbarrier.arrive $0xFFFF  }
0xc4: {  	p0 =	sne.s32 s0, $0x0;
	s0 =	rddreg [dreg:$0x4]  }
0xc5: {  	s0 =	sadd.s32 @!p0 $0x100000, s0  }
0xc6: {  	[sflag:s0] =	ssyncadd.tile.s32 @!p0 $0x1;
	_ =	shalt  }
.Lfunc_end2:
_tile_overlayer_lowered:
.L_overlay_start_2:
0xc7: {  	(tag) =	ssettag $0x2  }
0xc8: {  	s0 =	rddreg [dreg:$0x0];
	s2 =	stileid.u32  }
0xc9: {  	s1 =	rddreg [dreg:$0x1];
	p0 =	sne.s32 s2, $0x0  }
0xca: {  	s3 =	rddreg [dreg:$0x2];
	[bflag:$0x3] =	sbarrier.arrive $0xFFFF;
	s2 =	simm.s32 @!p0 $0x1C02  }
0xcb: {  	[timem:s3], [sflag:s2] =	dma.local @!p0 [hbm:s0], s1  }
0xcc: {  	s0 =	simm.s32 @!p0 $0x2  }
0xcd: {  	_ =	swait.ge @!p0 [sflag:s0], s1  }
0xce: {  	s1 =	ssub.s32 @!p0 $0x0, s1;
	[sflag:s0] =	ssyncset.done @!p0 $0x0  }
0xcf: {  	[sflag:s0] =	ssyncadd.s32 @!p0 s1  }
0xd0: {  	[bflag:$0x3] =	sbarrier.arrive $0xFFFF  }
0xd1: {  	_ =	shalt  }

</sc_bundles>
